<compile_context>
chip_gen: v7x
topology: tpu7x:2x2x1
jax: 0.10.2.dev20260603
libtpu: 0.0.44.dev20260713+nightly
codegen_flags: <defaults>
</compile_context>

<pallas_src>
import functools

import numpy as np

import jax
import jax.numpy as jnp
from jax import lax
from jax.experimental import pallas as pl
from jax.experimental.pallas import tpu as pltpu
from jax.experimental.pallas import tpu_sc as plsc

N = 4096
M = 4096
NNZ = 167772
NW = 32
P = 10
NREG = NW * P
W = 52432
WLAST = N * M - (NREG - 1) * W
ZI = W // 16

CH = 2048
GR = CH // 16
KCH = CH + 32
PAD_LEN = ((NNZ + 2 * CH + KCH) // 8 + 1) * 8
SB_LEN = 352

SENTINEL = np.int32(0x7FFFFFFF)


def _sc_body(skey_hbm, sval_hbm, starts_hbm, tvals_hbm, out_hbm,
             win0, win1, kc0, kc1, vc0, vc1, si0, si1, sb, tb,
             isem, osem):
    wid = lax.axis_index("s") * 2 + lax.axis_index("c")
    r0 = wid * np.int32(P)

    pltpu.sync_copy(starts_hbm, sb)
    pltpu.sync_copy(tvals_hbm, tb)

    lane = lax.iota(jnp.int32, 16)
    zf16 = (lane * 0).astype(jnp.float32)

    def _region_info(p):
        bv = sb[pl.ds(r0 + p, 16)]
        lo = bv[0]
        hi = bv[1]
        lo_al = lo & np.int32(-8)
        return lo, hi, lo_al

    def _fire_inputs(p, kcb, vcb):
        _, _, lo_al = _region_info(p)
        abase = pl.multiple_of(lo_al, 8)
        pltpu.async_copy(skey_hbm.at[pl.ds(abase, KCH)], kcb, isem)
        pltpu.async_copy(sval_hbm.at[pl.ds(abase, CH)], vcb, isem)

    def _wait_inputs(kcb, vcb):
        pltpu.make_async_copy(
            skey_hbm.at[pl.ds(0, KCH)], kcb, isem).wait()
        pltpu.make_async_copy(
            sval_hbm.at[pl.ds(0, CH)], vcb, isem).wait()

    def _wait_out_w(winb):
        pltpu.make_async_copy(
            winb, out_hbm.at[pl.ds(0, W)], osem).wait()

    def _wait_out_last(winb):
        pltpu.make_async_copy(
            winb.at[pl.ds(0, WLAST)], out_hbm.at[pl.ds(0, WLAST)],
            osem).wait()

    def _zero_full(winb):
        def _z(i, _):
            for u in range(8):
                winb[pl.ds(i * 128 + u * 16, 16)] = zf16
            return 0
        lax.fori_loop(0, ZI // 8, _z, 0)
        for u in range(ZI % 8):
            winb[pl.ds((ZI // 8) * 128 + u * 16, 16)] = zf16

    _zero_full(win0)
    _zero_full(win1)
    _fire_inputs(np.int32(0), kc0, vc0)
    _fire_inputs(np.int32(1), kc1, vc1)

    bufs = ((win0, kc0, vc0, si0), (win1, kc1, vc1, si1))

    def _process(p, winb, kcb, vcb, sib):
        r = r0 + p
        lo, hi, lo_al = _region_info(p)
        nch = (hi - lo_al + np.int32(CH - 1)) // np.int32(CH)
        wstart = r * np.int32(W)
        wsplat = jnp.full((16,), wstart, jnp.int32)
        tval = tb[pl.ds(r, 16)][0]
        tvsplat = jnp.full((16,), tval, jnp.float32)

        @pl.when(p >= 2)
        def _():
            _wait_out_w(winb)
            plo, phi, plo_al = _region_info(p - 2)
            pnch = (phi - plo_al + np.int32(CH - 1)) // np.int32(CH)

            @pl.when(pnch <= 1)
            def _():
                png = (phi - plo_al + np.int32(15)) // np.int32(16)

                def _rz(k, _):
                    idxv = sib[pl.ds(k * 16, 16)]
                    plsc.store_scatter(winb, [idxv], zf16)
                    return 0
                lax.fori_loop(0, png, _rz, 0)

            @pl.when(pnch > 1)
            def _():
                _zero_full(winb)

        _wait_inputs(kcb, vcb)
        ng0 = jnp.minimum((hi - lo_al + np.int32(15)) // np.int32(16),
                          np.int32(GR))

        def _group0(k, _):
            off = k * 16
            ka = kcb[pl.ds(off, 16)]
            kb = kcb[pl.ds(off + 1, 16)]
            va = vcb[pl.ds(off, 16)]
            gidx = lo_al + off + lane
            keep = (ka != kb) & (gidx >= lo) & (gidx < hi)
            outk = jnp.where(keep, ka - wsplat, lane * 0)
            outv = jnp.where(keep, va, tvsplat)
            plsc.store_scatter(winb, [outk], outv)
            sib[pl.ds(off, 16)] = outk
            return 0
        lax.fori_loop(0, ng0, _group0, 0)

        @pl.when(nch > 1)
        def _():
            def _chunk(c, _):
                base = pl.multiple_of(lo_al + c * np.int32(CH), 8)
                pltpu.sync_copy(skey_hbm.at[pl.ds(base, KCH)], kcb)
                pltpu.sync_copy(sval_hbm.at[pl.ds(base, CH)], vcb)

                def _group(k, _):
                    off = k * 16
                    ka = kcb[pl.ds(off, 16)]
                    kb = kcb[pl.ds(off + 1, 16)]
                    va = vcb[pl.ds(off, 16)]
                    gidx = base + off + lane
                    keep = (ka != kb) & (gidx >= lo) & (gidx < hi)
                    outk = jnp.where(keep, ka - wsplat, lane * 0)
                    outv = jnp.where(keep, va, tvsplat)
                    plsc.store_scatter(winb, [outk], outv)
                    return 0
                lax.fori_loop(0, GR, _group, 0)
                return 0
            lax.fori_loop(1, nch, _chunk, 0)

        _fire_inputs(p + np.int32(2), kcb, vcb)

        woff = pl.multiple_of(wstart, 8)

        @pl.when(r == NREG - 1)
        def _():
            pltpu.async_copy(
                winb.at[pl.ds(0, WLAST)], out_hbm.at[pl.ds(woff, WLAST)],
                osem)

        @pl.when(r != NREG - 1)
        def _():
            pltpu.async_copy(winb, out_hbm.at[pl.ds(woff, W)], osem)

    def _pair(pp, _):
        for b in range(2):
            winb, kcb, vcb, sib = bufs[b]
            _process(pp * 2 + np.int32(b), winb, kcb, vcb, sib)
        return 0
    lax.fori_loop(0, P // 2, _pair, 0)

    _wait_inputs(kc0, vc0)
    _wait_inputs(kc1, vc1)
    _wait_out_w(win0)

    @pl.when(r0 + np.int32(P - 1) == np.int32(NREG - 1))
    def _():
        _wait_out_last(win1)

    @pl.when(r0 + np.int32(P - 1) != np.int32(NREG - 1))
    def _():
        _wait_out_w(win1)


@jax.jit
def _sc_scatter(skey_pad, sval_pad, starts, tvals):
    mesh = plsc.VectorSubcoreMesh(core_axis_name="c", subcore_axis_name="s")
    f = functools.partial(
        pl.kernel,
        mesh=mesh,
        compiler_params=pltpu.CompilerParams(needs_layout_passes=False),
        out_type=jax.ShapeDtypeStruct((N * M,), jnp.float32),
        scratch_types=[
            pltpu.VMEM((W,), jnp.float32),
            pltpu.VMEM((W,), jnp.float32),
            pltpu.VMEM((KCH,), jnp.int32),
            pltpu.VMEM((KCH,), jnp.int32),
            pltpu.VMEM((CH,), jnp.float32),
            pltpu.VMEM((CH,), jnp.float32),
            pltpu.VMEM((CH,), jnp.int32),
            pltpu.VMEM((CH,), jnp.int32),
            pltpu.VMEM((SB_LEN,), jnp.int32),
            pltpu.VMEM((SB_LEN,), jnp.float32),
            pltpu.SemaphoreType.DMA,
            pltpu.SemaphoreType.DMA,
        ],
    )(_sc_body)
    return f(skey_pad, sval_pad, starts, tvals)


def kernel(node_features, data, indices):
    flat = indices[:, 0] * np.int32(M) + indices[:, 1]
    skey, sval = lax.sort_key_val(flat, data, is_stable=False)

    skey_pad = jnp.full((PAD_LEN,), SENTINEL, jnp.int32).at[:NNZ].set(skey)
    sval_pad = jnp.zeros((PAD_LEN,), jnp.float32).at[:NNZ].set(sval)

    targets = jnp.arange(NREG + 1, dtype=jnp.int32) * np.int32(W)
    bounds = jnp.searchsorted(skey, targets, side="left").astype(jnp.int32)
    starts = jnp.full((SB_LEN,), np.int32(NNZ), jnp.int32).at[:NREG + 1].set(
        bounds)

    rt = targets[:NREG]
    pr = jnp.searchsorted(skey, rt, side="right").astype(jnp.int32) - 1
    prc = jnp.maximum(pr, 0)
    exists = (pr >= 0) & (skey[prc] == rt)
    tvals = jnp.zeros((SB_LEN,), jnp.float32).at[:NREG].set(
        jnp.where(exists, sval[prc], 0.0))

    out = _sc_scatter(skey_pad, sval_pad, starts, tvals)
    return out.reshape(N, M)

# --- scband reference (transcript-rebuilt; emitter-appended) ---
"""Pipeline reference for scband-sparse-hypergraph-59811714564732 (READ-ONLY COPY).

The authoritative reference and input builder live on the scoring server;
editing this copy changes nothing except your own understanding.
"""

import jax, jax.numpy as jnp
import numpy as np

N = 4096
M = 4096
NNZ = 167772
D = 256


def setup_inputs(seed: int = 0) -> dict:
    key = jax.random.key(seed)
    k1, k2, k3 = jax.random.split(key, 3)
    node_features = jax.random.normal(k1, (N, D), dtype=jnp.float32)
    data = jax.random.normal(k2, (NNZ,), dtype=jnp.float32)
    # COO indices: column 0 = vertex idx in [0, N), column 1 = edge idx in [0, M)
    indices = jax.random.randint(k3, (NNZ, 2), 0, N, dtype=jnp.int32)
    return {"node_features": node_features, "data": data, "indices": indices}


def reference(node_features, data, indices):
    # Faithful translation of SparseHypergraph.to_dense():
    #   H = jnp.zeros((n, m)).at[indices[:, 0], indices[:, 1]].set(data)
    # node_mask / edge_mask are None (defaults), so _masked_incidence_sparse
    # is the identity and to_dense uses raw self.data directly.
    n, m = N, M
    H = jnp.zeros((n, m), dtype=data.dtype).at[indices[:, 0], indices[:, 1]].set(data)
    return H

if __name__ == "__main__":
    import jax
    _d = setup_inputs()
    print(jax.jit(kernel)(*tuple(_d.values())))

</pallas_src>

<mosaic_0001>
#map = affine_map<(d0, d1) -> (0)>
module attributes {stable_mosaic.version = 14 : i64} {
  func.func @_sc_body(%arg0: i32, %arg1: i32, %arg2: memref<173952xi32, #tpu.memory_space<hbm>>, %arg3: memref<173952xf32, #tpu.memory_space<hbm>>, %arg4: memref<352xi32, #tpu.memory_space<hbm>>, %arg5: memref<352xf32, #tpu.memory_space<hbm>>, %arg6: memref<16777216xf32, #tpu.memory_space<hbm>>, %arg7: memref<52432xf32, #tpu.memory_space<vmem>>, %arg8: memref<52432xf32, #tpu.memory_space<vmem>>, %arg9: memref<2080xi32, #tpu.memory_space<vmem>>, %arg10: memref<2080xi32, #tpu.memory_space<vmem>>, %arg11: memref<2048xf32, #tpu.memory_space<vmem>>, %arg12: memref<2048xf32, #tpu.memory_space<vmem>>, %arg13: memref<2048xi32, #tpu.memory_space<vmem>>, %arg14: memref<2048xi32, #tpu.memory_space<vmem>>, %arg15: memref<352xi32, #tpu.memory_space<vmem>>, %arg16: memref<352xf32, #tpu.memory_space<vmem>>, %arg17: memref<!tpu.dma_semaphore, #tpu.memory_space<semaphore_mem>>, %arg18: memref<!tpu.dma_semaphore, #tpu.memory_space<semaphore_mem>>) attributes {dimension_semantics = [#tpu.dimension_semantics<core_parallel>, #tpu.dimension_semantics<subcore_parallel>], iteration_bounds = array<i64: 2, 16>, scalar_prefetch = 0 : i64, scratch_operands = 12 : i64, tpu.core_type = #tpu.core_type<sc_vector_subcore>, window_params = [{transform_indices = #map}, {transform_indices = #map}, {transform_indices = #map}, {transform_indices = #map}, {transform_indices = #map}]} {
    %mul3A = arith.constant 2 : i32
    %mul3A_0 = arith.muli %arg1, %mul3A : i32
    %add3A = arith.addi %mul3A_0, %arg0 : i32
    %mul3A_1 = arith.constant 10 : i32
    %mul3A_2 = arith.muli %add3A, %mul3A_1 : i32
    "tpu.region"() ({
      %run_scoped3A = tpu.sem_alloc : memref<!tpu.dma_semaphore, #tpu.memory_space<semaphore_mem>>
      tpu.enqueue_dma source(%arg4 : memref<352xi32, #tpu.memory_space<hbm>>) target(%arg15 : memref<352xi32, #tpu.memory_space<vmem>>) target_semaphore(%run_scoped3A : memref<!tpu.dma_semaphore, #tpu.memory_space<semaphore_mem>>)
      tpu.wait_dma2 semaphore(%run_scoped3A : memref<!tpu.dma_semaphore, #tpu.memory_space<semaphore_mem>>) src(%arg4 : memref<352xi32, #tpu.memory_space<hbm>>) dst(%arg15 : memref<352xi32, #tpu.memory_space<vmem>>)
      tpu.yield
    }) : () -> ()
    "tpu.region"() ({
      %run_scoped3A = tpu.sem_alloc : memref<!tpu.dma_semaphore, #tpu.memory_space<semaphore_mem>>
      tpu.enqueue_dma source(%arg5 : memref<352xf32, #tpu.memory_space<hbm>>) target(%arg16 : memref<352xf32, #tpu.memory_space<vmem>>) target_semaphore(%run_scoped3A : memref<!tpu.dma_semaphore, #tpu.memory_space<semaphore_mem>>)
      tpu.wait_dma2 semaphore(%run_scoped3A : memref<!tpu.dma_semaphore, #tpu.memory_space<semaphore_mem>>) src(%arg5 : memref<352xf32, #tpu.memory_space<hbm>>) dst(%arg16 : memref<352xf32, #tpu.memory_space<vmem>>)
      tpu.yield
    }) : () -> ()
    %iota3A = tpu.iota {dimensions = array<i32: 0>} : vector<16xi32>
    %mul3A_3 = arith.constant 0 : i32
    %mul3A_4 = vector.broadcast %mul3A_3 : i32 to vector<16xi32>
    %mul3A_5 = arith.muli %iota3A, %mul3A_4 : vector<16xi32>
    %convert_element_type3A = arith.sitofp %mul3A_5 : vector<16xi32> to vector<16xf32>
    %scan3A = arith.constant 0 : i32
    %scan3A_6 = arith.constant 0 : i32
    %scan3A_7 = arith.constant 409 : i32
    %scan3A_8 = arith.addi %scan3A_6, %scan3A_7 : i32
    %scan3A_9 = arith.constant 1 : i32
    %scan3A_10 = scf.for %scan3A_99 = %scan3A_6 to %scan3A_8 step %scan3A_9 iter_args(%scan3A_100 = %scan3A) -> (i32)  : i32 {
      %mul3A_101 = arith.constant 128 : i32
      %mul3A_102 = arith.muli %scan3A_99, %mul3A_101 : i32
      %add3A_103 = arith.constant 0 : i32
      %add3A_104 = arith.addi %mul3A_102, %add3A_103 : i32
      %swap3A_105 = arith.index_cast %add3A_104 : i32 to index
      %swap3A_106 = tpu.vector_load %arg7[%swap3A_105] {strides = array<i32>} : memref<52432xf32, #tpu.memory_space<vmem>>, vector<16xf32>,
      tpu.vector_store %arg7[%swap3A_105], %convert_element_type3A {strides = array<i32>} : memref<52432xf32, #tpu.memory_space<vmem>>, vector<16xf32>,
      %mul3A_107 = arith.constant 128 : i32
      %mul3A_108 = arith.muli %scan3A_99, %mul3A_107 : i32
      %add3A_109 = arith.constant 16 : i32
      %add3A_110 = arith.addi %mul3A_108, %add3A_109 : i32
      %swap3A_111 = arith.index_cast %add3A_110 : i32 to index
      %swap3A_112 = tpu.vector_load %arg7[%swap3A_111] {strides = array<i32>} : memref<52432xf32, #tpu.memory_space<vmem>>, vector<16xf32>,
      tpu.vector_store %arg7[%swap3A_111], %convert_element_type3A {strides = array<i32>} : memref<52432xf32, #tpu.memory_space<vmem>>, vector<16xf32>,
      %mul3A_113 = arith.constant 128 : i32
      %mul3A_114 = arith.muli %scan3A_99, %mul3A_113 : i32
      %add3A_115 = arith.constant 32 : i32
      %add3A_116 = arith.addi %mul3A_114, %add3A_115 : i32
      %swap3A_117 = arith.index_cast %add3A_116 : i32 to index
      %swap3A_118 = tpu.vector_load %arg7[%swap3A_117] {strides = array<i32>} : memref<52432xf32, #tpu.memory_space<vmem>>, vector<16xf32>,
      tpu.vector_store %arg7[%swap3A_117], %convert_element_type3A {strides = array<i32>} : memref<52432xf32, #tpu.memory_space<vmem>>, vector<16xf32>,
      %mul3A_119 = arith.constant 128 : i32
      %mul3A_120 = arith.muli %scan3A_99, %mul3A_119 : i32
      %add3A_121 = arith.constant 48 : i32
      %add3A_122 = arith.addi %mul3A_120, %add3A_121 : i32
      %swap3A_123 = arith.index_cast %add3A_122 : i32 to index
      %swap3A_124 = tpu.vector_load %arg7[%swap3A_123] {strides = array<i32>} : memref<52432xf32, #tpu.memory_space<vmem>>, vector<16xf32>,
      tpu.vector_store %arg7[%swap3A_123], %convert_element_type3A {strides = array<i32>} : memref<52432xf32, #tpu.memory_space<vmem>>, vector<16xf32>,
      %mul3A_125 = arith.constant 128 : i32
      %mul3A_126 = arith.muli %scan3A_99, %mul3A_125 : i32
      %add3A_127 = arith.constant 64 : i32
      %add3A_128 = arith.addi %mul3A_126, %add3A_127 : i32
      %swap3A_129 = arith.index_cast %add3A_128 : i32 to index
      %swap3A_130 = tpu.vector_load %arg7[%swap3A_129] {strides = array<i32>} : memref<52432xf32, #tpu.memory_space<vmem>>, vector<16xf32>,
      tpu.vector_store %arg7[%swap3A_129], %convert_element_type3A {strides = array<i32>} : memref<52432xf32, #tpu.memory_space<vmem>>, vector<16xf32>,
      %mul3A_131 = arith.constant 128 : i32
      %mul3A_132 = arith.muli %scan3A_99, %mul3A_131 : i32
      %add3A_133 = arith.constant 80 : i32
      %add3A_134 = arith.addi %mul3A_132, %add3A_133 : i32
      %swap3A_135 = arith.index_cast %add3A_134 : i32 to index
      %swap3A_136 = tpu.vector_load %arg7[%swap3A_135] {strides = array<i32>} : memref<52432xf32, #tpu.memory_space<vmem>>, vector<16xf32>,
      tpu.vector_store %arg7[%swap3A_135], %convert_element_type3A {strides = array<i32>} : memref<52432xf32, #tpu.memory_space<vmem>>, vector<16xf32>,
      %mul3A_137 = arith.constant 128 : i32
      %mul3A_138 = arith.muli %scan3A_99, %mul3A_137 : i32
      %add3A_139 = arith.constant 96 : i32
      %add3A_140 = arith.addi %mul3A_138, %add3A_139 : i32
      %swap3A_141 = arith.index_cast %add3A_140 : i32 to index
      %swap3A_142 = tpu.vector_load %arg7[%swap3A_141] {strides = array<i32>} : memref<52432xf32, #tpu.memory_space<vmem>>, vector<16xf32>,
      tpu.vector_store %arg7[%swap3A_141], %convert_element_type3A {strides = array<i32>} : memref<52432xf32, #tpu.memory_space<vmem>>, vector<16xf32>,
      %mul3A_143 = arith.constant 128 : i32
      %mul3A_144 = arith.muli %scan3A_99, %mul3A_143 : i32
      %add3A_145 = arith.constant 112 : i32
      %add3A_146 = arith.addi %mul3A_144, %add3A_145 : i32
      %swap3A_147 = arith.index_cast %add3A_146 : i32 to index
      %swap3A_148 = tpu.vector_load %arg7[%swap3A_147] {strides = array<i32>} : memref<52432xf32, #tpu.memory_space<vmem>>, vector<16xf32>,
      tpu.vector_store %arg7[%swap3A_147], %convert_element_type3A {strides = array<i32>} : memref<52432xf32, #tpu.memory_space<vmem>>, vector<16xf32>,
      %scan3A_149 = arith.constant 0 : i32
      scf.yield %scan3A_149 : i32
    }
    %scan3A_11 = arith.constant 409 : i32
    %swap3A = arith.constant 52352 : index
    %swap3A_12 = tpu.vector_load %arg7[%swap3A] {strides = array<i32>} : memref<52432xf32, #tpu.memory_space<vmem>>, vector<16xf32>,
    tpu.vector_store %arg7[%swap3A], %convert_element_type3A {strides = array<i32>} : memref<52432xf32, #tpu.memory_space<vmem>>, vector<16xf32>,
    %swap3A_13 = arith.constant 52368 : index
    %swap3A_14 = tpu.vector_load %arg7[%swap3A_13] {strides = array<i32>} : memref<52432xf32, #tpu.memory_space<vmem>>, vector<16xf32>,
    tpu.vector_store %arg7[%swap3A_13], %convert_element_type3A {strides = array<i32>} : memref<52432xf32, #tpu.memory_space<vmem>>, vector<16xf32>,
    %swap3A_15 = arith.constant 52384 : index
    %swap3A_16 = tpu.vector_load %arg7[%swap3A_15] {strides = array<i32>} : memref<52432xf32, #tpu.memory_space<vmem>>, vector<16xf32>,
    tpu.vector_store %arg7[%swap3A_15], %convert_element_type3A {strides = array<i32>} : memref<52432xf32, #tpu.memory_space<vmem>>, vector<16xf32>,
    %swap3A_17 = arith.constant 52400 : index
    %swap3A_18 = tpu.vector_load %arg7[%swap3A_17] {strides = array<i32>} : memref<52432xf32, #tpu.memory_space<vmem>>, vector<16xf32>,
    tpu.vector_store %arg7[%swap3A_17], %convert_element_type3A {strides = array<i32>} : memref<52432xf32, #tpu.memory_space<vmem>>, vector<16xf32>,
    %swap3A_19 = arith.constant 52416 : index
    %swap3A_20 = tpu.vector_load %arg7[%swap3A_19] {strides = array<i32>} : memref<52432xf32, #tpu.memory_space<vmem>>, vector<16xf32>,
    tpu.vector_store %arg7[%swap3A_19], %convert_element_type3A {strides = array<i32>} : memref<52432xf32, #tpu.memory_space<vmem>>, vector<16xf32>,
    %scan3A_21 = arith.constant 0 : i32
    %scan3A_22 = arith.constant 0 : i32
    %scan3A_23 = arith.constant 409 : i32
    %scan3A_24 = arith.addi %scan3A_22, %scan3A_23 : i32
    %scan3A_25 = arith.constant 1 : i32
    %scan3A_26 = scf.for %scan3A_99 = %scan3A_22 to %scan3A_24 step %scan3A_25 iter_args(%scan3A_100 = %scan3A_21) -> (i32)  : i32 {
      %mul3A_101 = arith.constant 128 : i32
      %mul3A_102 = arith.muli %scan3A_99, %mul3A_101 : i32
      %add3A_103 = arith.constant 0 : i32
      %add3A_104 = arith.addi %mul3A_102, %add3A_103 : i32
      %swap3A_105 = arith.index_cast %add3A_104 : i32 to index
      %swap3A_106 = tpu.vector_load %arg8[%swap3A_105] {strides = array<i32>} : memref<52432xf32, #tpu.memory_space<vmem>>, vector<16xf32>,
      tpu.vector_store %arg8[%swap3A_105], %convert_element_type3A {strides = array<i32>} : memref<52432xf32, #tpu.memory_space<vmem>>, vector<16xf32>,
      %mul3A_107 = arith.constant 128 : i32
      %mul3A_108 = arith.muli %scan3A_99, %mul3A_107 : i32
      %add3A_109 = arith.constant 16 : i32
      %add3A_110 = arith.addi %mul3A_108, %add3A_109 : i32
      %swap3A_111 = arith.index_cast %add3A_110 : i32 to index
      %swap3A_112 = tpu.vector_load %arg8[%swap3A_111] {strides = array<i32>} : memref<52432xf32, #tpu.memory_space<vmem>>, vector<16xf32>,
      tpu.vector_store %arg8[%swap3A_111], %convert_element_type3A {strides = array<i32>} : memref<52432xf32, #tpu.memory_space<vmem>>, vector<16xf32>,
      %mul3A_113 = arith.constant 128 : i32
      %mul3A_114 = arith.muli %scan3A_99, %mul3A_113 : i32
      %add3A_115 = arith.constant 32 : i32
      %add3A_116 = arith.addi %mul3A_114, %add3A_115 : i32
      %swap3A_117 = arith.index_cast %add3A_116 : i32 to index
      %swap3A_118 = tpu.vector_load %arg8[%swap3A_117] {strides = array<i32>} : memref<52432xf32, #tpu.memory_space<vmem>>, vector<16xf32>,
      tpu.vector_store %arg8[%swap3A_117], %convert_element_type3A {strides = array<i32>} : memref<52432xf32, #tpu.memory_space<vmem>>, vector<16xf32>,
      %mul3A_119 = arith.constant 128 : i32
      %mul3A_120 = arith.muli %scan3A_99, %mul3A_119 : i32
      %add3A_121 = arith.constant 48 : i32
      %add3A_122 = arith.addi %mul3A_120, %add3A_121 : i32
      %swap3A_123 = arith.index_cast %add3A_122 : i32 to index
      %swap3A_124 = tpu.vector_load %arg8[%swap3A_123] {strides = array<i32>} : memref<52432xf32, #tpu.memory_space<vmem>>, vector<16xf32>,
      tpu.vector_store %arg8[%swap3A_123], %convert_element_type3A {strides = array<i32>} : memref<52432xf32, #tpu.memory_space<vmem>>, vector<16xf32>,
      %mul3A_125 = arith.constant 128 : i32
      %mul3A_126 = arith.muli %scan3A_99, %mul3A_125 : i32
      %add3A_127 = arith.constant 64 : i32
      %add3A_128 = arith.addi %mul3A_126, %add3A_127 : i32
      %swap3A_129 = arith.index_cast %add3A_128 : i32 to index
      %swap3A_130 = tpu.vector_load %arg8[%swap3A_129] {strides = array<i32>} : memref<52432xf32, #tpu.memory_space<vmem>>, vector<16xf32>,
      tpu.vector_store %arg8[%swap3A_129], %convert_element_type3A {strides = array<i32>} : memref<52432xf32, #tpu.memory_space<vmem>>, vector<16xf32>,
      %mul3A_131 = arith.constant 128 : i32
      %mul3A_132 = arith.muli %scan3A_99, %mul3A_131 : i32
      %add3A_133 = arith.constant 80 : i32
      %add3A_134 = arith.addi %mul3A_132, %add3A_133 : i32
      %swap3A_135 = arith.index_cast %add3A_134 : i32 to index
      %swap3A_136 = tpu.vector_load %arg8[%swap3A_135] {strides = array<i32>} : memref<52432xf32, #tpu.memory_space<vmem>>, vector<16xf32>,
      tpu.vector_store %arg8[%swap3A_135], %convert_element_type3A {strides = array<i32>} : memref<52432xf32, #tpu.memory_space<vmem>>, vector<16xf32>,
      %mul3A_137 = arith.constant 128 : i32
      %mul3A_138 = arith.muli %scan3A_99, %mul3A_137 : i32
      %add3A_139 = arith.constant 96 : i32
      %add3A_140 = arith.addi %mul3A_138, %add3A_139 : i32
      %swap3A_141 = arith.index_cast %add3A_140 : i32 to index
      %swap3A_142 = tpu.vector_load %arg8[%swap3A_141] {strides = array<i32>} : memref<52432xf32, #tpu.memory_space<vmem>>, vector<16xf32>,
      tpu.vector_store %arg8[%swap3A_141], %convert_element_type3A {strides = array<i32>} : memref<52432xf32, #tpu.memory_space<vmem>>, vector<16xf32>,
      %mul3A_143 = arith.constant 128 : i32
      %mul3A_144 = arith.muli %scan3A_99, %mul3A_143 : i32
      %add3A_145 = arith.constant 112 : i32
      %add3A_146 = arith.addi %mul3A_144, %add3A_145 : i32
      %swap3A_147 = arith.index_cast %add3A_146 : i32 to index
      %swap3A_148 = tpu.vector_load %arg8[%swap3A_147] {strides = array<i32>} : memref<52432xf32, #tpu.memory_space<vmem>>, vector<16xf32>,
      tpu.vector_store %arg8[%swap3A_147], %convert_element_type3A {strides = array<i32>} : memref<52432xf32, #tpu.memory_space<vmem>>, vector<16xf32>,
      %scan3A_149 = arith.constant 0 : i32
      scf.yield %scan3A_149 : i32
    }
    %scan3A_27 = arith.constant 409 : i32
    %swap3A_28 = arith.constant 52352 : index
    %swap3A_29 = tpu.vector_load %arg8[%swap3A_28] {strides = array<i32>} : memref<52432xf32, #tpu.memory_space<vmem>>, vector<16xf32>,
    tpu.vector_store %arg8[%swap3A_28], %convert_element_type3A {strides = array<i32>} : memref<52432xf32, #tpu.memory_space<vmem>>, vector<16xf32>,
    %swap3A_30 = arith.constant 52368 : index
    %swap3A_31 = tpu.vector_load %arg8[%swap3A_30] {strides = array<i32>} : memref<52432xf32, #tpu.memory_space<vmem>>, vector<16xf32>,
    tpu.vector_store %arg8[%swap3A_30], %convert_element_type3A {strides = array<i32>} : memref<52432xf32, #tpu.memory_space<vmem>>, vector<16xf32>,
    %swap3A_32 = arith.constant 52384 : index
    %swap3A_33 = tpu.vector_load %arg8[%swap3A_32] {strides = array<i32>} : memref<52432xf32, #tpu.memory_space<vmem>>, vector<16xf32>,
    tpu.vector_store %arg8[%swap3A_32], %convert_element_type3A {strides = array<i32>} : memref<52432xf32, #tpu.memory_space<vmem>>, vector<16xf32>,
    %swap3A_34 = arith.constant 52400 : index
    %swap3A_35 = tpu.vector_load %arg8[%swap3A_34] {strides = array<i32>} : memref<52432xf32, #tpu.memory_space<vmem>>, vector<16xf32>,
    tpu.vector_store %arg8[%swap3A_34], %convert_element_type3A {strides = array<i32>} : memref<52432xf32, #tpu.memory_space<vmem>>, vector<16xf32>,
    %swap3A_36 = arith.constant 52416 : index
    %swap3A_37 = tpu.vector_load %arg8[%swap3A_36] {strides = array<i32>} : memref<52432xf32, #tpu.memory_space<vmem>>, vector<16xf32>,
    tpu.vector_store %arg8[%swap3A_36], %convert_element_type3A {strides = array<i32>} : memref<52432xf32, #tpu.memory_space<vmem>>, vector<16xf32>,
    %add3A_38 = arith.constant 0 : i32
    %add3A_39 = arith.addi %mul3A_2, %add3A_38 : i32
    %get3A = arith.index_cast %add3A_39 : i32 to index
    %get3A_40 = tpu.vector_load %arg15[%get3A] {strides = array<i32>} : memref<352xi32, #tpu.memory_space<vmem>>, vector<16xi32>,
    %slice3A = vector.extract_strided_slice %get3A_40 {offsets = [0], sizes = [1], strides = [1]} : vector<16xi32> to vector<1xi32>
    %squeeze3A = vector.extract %slice3A[0] : i32 from vector<1xi32>
    %slice3A_41 = vector.extract_strided_slice %get3A_40 {offsets = [1], sizes = [1], strides = [1]} : vector<16xi32> to vector<1xi32>
    %squeeze3A_42 = vector.extract %slice3A_41[0] : i32 from vector<1xi32>
    %and3A = arith.constant -8 : i32
    %and3A_43 = arith.andi %squeeze3A, %and3A : i32
    %multiple_of3A = tpu.assume_multiple %and3A_43, 8 : i32
    %dma_start3A = tpu.memref_slice %arg2[%multiple_of3A] : memref<173952xi32, #tpu.memory_space<hbm>> -> memref<2080xi32, #tpu.memory_space<hbm>>
    %dma_start3A_44 = tpu.memref_slice %arg2[%multiple_of3A] : memref<173952xi32, #tpu.memory_space<hbm>> -> memref<2080xi32, #tpu.memory_space<hbm>>
    tpu.enqueue_dma source(%dma_start3A_44 : memref<2080xi32, #tpu.memory_space<hbm>>) target(%arg9 : memref<2080xi32, #tpu.memory_space<vmem>>) target_semaphore(%arg17 : memref<!tpu.dma_semaphore, #tpu.memory_space<semaphore_mem>>)
    %dma_start3A_45 = tpu.memref_slice %arg3[%multiple_of3A] : memref<173952xf32, #tpu.memory_space<hbm>> -> memref<2048xf32, #tpu.memory_space<hbm>>
    %dma_start3A_46 = tpu.memref_slice %arg3[%multiple_of3A] : memref<173952xf32, #tpu.memory_space<hbm>> -> memref<2048xf32, #tpu.memory_space<hbm>>
    tpu.enqueue_dma source(%dma_start3A_46 : memref<2048xf32, #tpu.memory_space<hbm>>) target(%arg11 : memref<2048xf32, #tpu.memory_space<vmem>>) target_semaphore(%arg17 : memref<!tpu.dma_semaphore, #tpu.memory_space<semaphore_mem>>)
    %add3A_47 = arith.constant 1 : i32
    %add3A_48 = arith.addi %mul3A_2, %add3A_47 : i32
    %get3A_49 = arith.index_cast %add3A_48 : i32 to index
    %get3A_50 = tpu.vector_load %arg15[%get3A_49] {strides = array<i32>} : memref<352xi32, #tpu.memory_space<vmem>>, vector<16xi32>,
    %slice3A_51 = vector.extract_strided_slice %get3A_50 {offsets = [0], sizes = [1], strides = [1]} : vector<16xi32> to vector<1xi32>
    %squeeze3A_52 = vector.extract %slice3A_51[0] : i32 from vector<1xi32>
    %slice3A_53 = vector.extract_strided_slice %get3A_50 {offsets = [1], sizes = [1], strides = [1]} : vector<16xi32> to vector<1xi32>
    %squeeze3A_54 = vector.extract %slice3A_53[0] : i32 from vector<1xi32>
    %and3A_55 = arith.constant -8 : i32
    %and3A_56 = arith.andi %squeeze3A_52, %and3A_55 : i32
    %multiple_of3A_57 = tpu.assume_multiple %and3A_56, 8 : i32
    %dma_start3A_58 = tpu.memref_slice %arg2[%multiple_of3A_57] : memref<173952xi32, #tpu.memory_space<hbm>> -> memref<2080xi32, #tpu.memory_space<hbm>>
    %dma_start3A_59 = tpu.memref_slice %arg2[%multiple_of3A_57] : memref<173952xi32, #tpu.memory_space<hbm>> -> memref<2080xi32, #tpu.memory_space<hbm>>
    tpu.enqueue_dma source(%dma_start3A_59 : memref<2080xi32, #tpu.memory_space<hbm>>) target(%arg10 : memref<2080xi32, #tpu.memory_space<vmem>>) target_semaphore(%arg17 : memref<!tpu.dma_semaphore, #tpu.memory_space<semaphore_mem>>)
    %dma_start3A_60 = tpu.memref_slice %arg3[%multiple_of3A_57] : memref<173952xf32, #tpu.memory_space<hbm>> -> memref<2048xf32, #tpu.memory_space<hbm>>
    %dma_start3A_61 = tpu.memref_slice %arg3[%multiple_of3A_57] : memref<173952xf32, #tpu.memory_space<hbm>> -> memref<2048xf32, #tpu.memory_space<hbm>>
    tpu.enqueue_dma source(%dma_start3A_61 : memref<2048xf32, #tpu.memory_space<hbm>>) target(%arg12 : memref<2048xf32, #tpu.memory_space<vmem>>) target_semaphore(%arg17 : memref<!tpu.dma_semaphore, #tpu.memory_space<semaphore_mem>>)
    %scan3A_62 = arith.constant 0 : i32
    %scan3A_63 = arith.constant 0 : i32
    %scan3A_64 = arith.constant 5 : i32
    %scan3A_65 = arith.addi %scan3A_63, %scan3A_64 : i32
    %scan3A_66 = arith.constant 1 : i32
    %scan3A_67 = scf.for %scan3A_99 = %scan3A_63 to %scan3A_65 step %scan3A_66 iter_args(%scan3A_100 = %scan3A_62) -> (i32)  : i32 {
      %mul3A_101 = arith.constant 2 : i32
      %mul3A_102 = arith.muli %scan3A_99, %mul3A_101 : i32
      %add3A_103 = arith.constant 0 : i32
      %add3A_104 = arith.addi %mul3A_102, %add3A_103 : i32
      %add3A_105 = arith.addi %mul3A_2, %add3A_104 : i32
      %add3A_106 = arith.addi %mul3A_2, %add3A_104 : i32
      %get3A_107 = arith.index_cast %add3A_106 : i32 to index
      %get3A_108 = tpu.vector_load %arg15[%get3A_107] {strides = array<i32>} : memref<352xi32, #tpu.memory_space<vmem>>, vector<16xi32>,
      %slice3A_109 = vector.extract_strided_slice %get3A_108 {offsets = [0], sizes = [1], strides = [1]} : vector<16xi32> to vector<1xi32>
      %squeeze3A_110 = vector.extract %slice3A_109[0] : i32 from vector<1xi32>
      %slice3A_111 = vector.extract_strided_slice %get3A_108 {offsets = [1], sizes = [1], strides = [1]} : vector<16xi32> to vector<1xi32>
      %squeeze3A_112 = vector.extract %slice3A_111[0] : i32 from vector<1xi32>
      %and3A_113 = arith.constant -8 : i32
      %and3A_114 = arith.andi %squeeze3A_110, %and3A_113 : i32
      %sub3A = arith.subi %squeeze3A_112, %and3A_114 : i32
      %add3A_115 = arith.constant 2047 : i32
      %add3A_116 = arith.addi %sub3A, %add3A_115 : i32
      %jit3A = arith.constant 2048 : i32
      %div3A = arith.divsi %add3A_116, %jit3A : i32
      %sign3A = arith.constant 0 : i32
      %sign3A_117 = arith.cmpi sgt, %add3A_116, %sign3A : i32
      %sign3A_118 = arith.extui %sign3A_117 : i1 to i32
      %sign3A_119 = arith.constant 0 : i32
      %sign3A_120 = arith.cmpi slt, %add3A_116, %sign3A_119 : i32
      %sign3A_121 = arith.extui %sign3A_120 : i1 to i32
      %sign3A_122 = arith.subi %sign3A_118, %sign3A_121 : i32
      %sign3A_123 = arith.constant 0 : i32
      %sign3A_124 = arith.cmpi sgt, %jit3A, %sign3A_123 : i32
      %sign3A_125 = arith.extui %sign3A_124 : i1 to i32
      %sign3A_126 = arith.constant 0 : i32
      %sign3A_127 = arith.cmpi slt, %jit3A, %sign3A_126 : i32
      %sign3A_128 = arith.extui %sign3A_127 : i1 to i32
      %sign3A_129 = arith.subi %sign3A_125, %sign3A_128 : i32
      %ne3A_130 = arith.cmpi ne, %sign3A_122, %sign3A_129 : i32
      %rem3A = arith.remsi %add3A_116, %jit3A : i32
      %ne3A_131 = arith.constant 0 : i32
      %ne3A_132 = arith.cmpi ne, %rem3A, %ne3A_131 : i32
      %and3A_133 = arith.andi %ne3A_130, %ne3A_132 : i1
      %sub3A_134 = arith.constant 1 : i32
      %sub3A_135 = arith.subi %div3A, %sub3A_134 : i32
      %select_n3A = arith.select %and3A_133, %sub3A_135, %div3A : i32
      %mul3A_136 = arith.constant 52432 : i32
      %mul3A_137 = arith.muli %add3A_105, %mul3A_136 : i32
      %broadcast_in_dim3A = vector.broadcast %mul3A_137 : i32 to vector<16xi32>
      %get3A_138 = arith.index_cast %add3A_105 : i32 to index
      %get3A_139 = tpu.vector_load %arg16[%get3A_138] {strides = array<i32>} : memref<352xf32, #tpu.memory_space<vmem>>, vector<16xf32>,
      %slice3A_140 = vector.extract_strided_slice %get3A_139 {offsets = [0], sizes = [1], strides = [1]} : vector<16xf32> to vector<1xf32>
      %squeeze3A_141 = vector.extract %slice3A_140[0] : f32 from vector<1xf32>
      %broadcast_in_dim3A_142 = vector.broadcast %squeeze3A_141 : f32 to vector<16xf32>
      %ge3A = arith.constant 2 : i32
      %ge3A_143 = arith.cmpi sge, %add3A_104, %ge3A : i32
      %convert_element_type3A_144 = arith.extui %ge3A_143 : i1 to i32
      %cond3A_145 = arith.constant 0 : i32
      %cond3A_146 = arith.cmpi ne, %convert_element_type3A_144, %cond3A_145 : i32
      scf.if %cond3A_146 {
        %dma_wait3A_361 = arith.constant 0 : i32
        %dma_wait3A_362 = tpu.memref_slice %arg6[%dma_wait3A_361] : memref<16777216xf32, #tpu.memory_space<hbm>> -> memref<52432xf32, #tpu.memory_space<hbm>>
        %dma_wait3A_363 = arith.constant 0 : i32
        %dma_wait3A_364 = tpu.memref_slice %arg6[%dma_wait3A_363] : memref<16777216xf32, #tpu.memory_space<hbm>> -> memref<52432xf32, #tpu.memory_space<hbm>>
        tpu.wait_dma2 semaphore(%arg18 : memref<!tpu.dma_semaphore, #tpu.memory_space<semaphore_mem>>) src(%arg7 : memref<52432xf32, #tpu.memory_space<vmem>>) dst(%dma_wait3A_364 : memref<52432xf32, #tpu.memory_space<hbm>>)
        %sub3A_365 = arith.constant 2 : i32
        %sub3A_366 = arith.subi %add3A_104, %sub3A_365 : i32
        %add3A_367 = arith.addi %mul3A_2, %sub3A_366 : i32
        %get3A_368 = arith.index_cast %add3A_367 : i32 to index
        %get3A_369 = tpu.vector_load %arg15[%get3A_368] {strides = array<i32>} : memref<352xi32, #tpu.memory_space<vmem>>, vector<16xi32>,
        %slice3A_370 = vector.extract_strided_slice %get3A_369 {offsets = [0], sizes = [1], strides = [1]} : vector<16xi32> to vector<1xi32>
        %squeeze3A_371 = vector.extract %slice3A_370[0] : i32 from vector<1xi32>
        %slice3A_372 = vector.extract_strided_slice %get3A_369 {offsets = [1], sizes = [1], strides = [1]} : vector<16xi32> to vector<1xi32>
        %squeeze3A_373 = vector.extract %slice3A_372[0] : i32 from vector<1xi32>
        %and3A_374 = arith.constant -8 : i32
        %and3A_375 = arith.andi %squeeze3A_371, %and3A_374 : i32
        %sub3A_376 = arith.subi %squeeze3A_373, %and3A_375 : i32
        %add3A_377 = arith.constant 2047 : i32
        %add3A_378 = arith.addi %sub3A_376, %add3A_377 : i32
        %jit3A_379 = arith.constant 2048 : i32
        %div3A_380 = arith.divsi %add3A_378, %jit3A_379 : i32
        %sign3A_381 = arith.constant 0 : i32
        %sign3A_382 = arith.cmpi sgt, %add3A_378, %sign3A_381 : i32
        %sign3A_383 = arith.extui %sign3A_382 : i1 to i32
        %sign3A_384 = arith.constant 0 : i32
        %sign3A_385 = arith.cmpi slt, %add3A_378, %sign3A_384 : i32
        %sign3A_386 = arith.extui %sign3A_385 : i1 to i32
        %sign3A_387 = arith.subi %sign3A_383, %sign3A_386 : i32
        %sign3A_388 = arith.constant 0 : i32
        %sign3A_389 = arith.cmpi sgt, %jit3A_379, %sign3A_388 : i32
        %sign3A_390 = arith.extui %sign3A_389 : i1 to i32
        %sign3A_391 = arith.constant 0 : i32
        %sign3A_392 = arith.cmpi slt, %jit3A_379, %sign3A_391 : i32
        %sign3A_393 = arith.extui %sign3A_392 : i1 to i32
        %sign3A_394 = arith.subi %sign3A_390, %sign3A_393 : i32
        %ne3A_395 = arith.cmpi ne, %sign3A_387, %sign3A_394 : i32
        %rem3A_396 = arith.remsi %add3A_378, %jit3A_379 : i32
        %ne3A_397 = arith.constant 0 : i32
        %ne3A_398 = arith.cmpi ne, %rem3A_396, %ne3A_397 : i32
        %and3A_399 = arith.andi %ne3A_395, %ne3A_398 : i1
        %sub3A_400 = arith.constant 1 : i32
        %sub3A_401 = arith.subi %div3A_380, %sub3A_400 : i32
        %select_n3A_402 = arith.select %and3A_399, %sub3A_401, %div3A_380 : i32
        %le3A = arith.constant 1 : i32
        %le3A_403 = arith.cmpi sle, %select_n3A_402, %le3A : i32
        %convert_element_type3A_404 = arith.extui %le3A_403 : i1 to i32
        %cond3A_405 = arith.constant 0 : i32
        %cond3A_406 = arith.cmpi ne, %convert_element_type3A_404, %cond3A_405 : i32
        scf.if %cond3A_406 {
          %sub3A_412 = arith.subi %squeeze3A_373, %and3A_375 : i32
          %add3A_413 = arith.constant 15 : i32
          %add3A_414 = arith.addi %sub3A_412, %add3A_413 : i32
          %jit3A_415 = arith.constant 16 : i32
          %div3A_416 = arith.divsi %add3A_414, %jit3A_415 : i32
          %sign3A_417 = arith.constant 0 : i32
          %sign3A_418 = arith.cmpi sgt, %add3A_414, %sign3A_417 : i32
          %sign3A_419 = arith.extui %sign3A_418 : i1 to i32
          %sign3A_420 = arith.constant 0 : i32
          %sign3A_421 = arith.cmpi slt, %add3A_414, %sign3A_420 : i32
          %sign3A_422 = arith.extui %sign3A_421 : i1 to i32
          %sign3A_423 = arith.subi %sign3A_419, %sign3A_422 : i32
          %sign3A_424 = arith.constant 0 : i32
          %sign3A_425 = arith.cmpi sgt, %jit3A_415, %sign3A_424 : i32
          %sign3A_426 = arith.extui %sign3A_425 : i1 to i32
          %sign3A_427 = arith.constant 0 : i32
          %sign3A_428 = arith.cmpi slt, %jit3A_415, %sign3A_427 : i32
          %sign3A_429 = arith.extui %sign3A_428 : i1 to i32
          %sign3A_430 = arith.subi %sign3A_426, %sign3A_429 : i32
          %ne3A_431 = arith.cmpi ne, %sign3A_423, %sign3A_430 : i32
          %rem3A_432 = arith.remsi %add3A_414, %jit3A_415 : i32
          %ne3A_433 = arith.constant 0 : i32
          %ne3A_434 = arith.cmpi ne, %rem3A_432, %ne3A_433 : i32
          %and3A_435 = arith.andi %ne3A_431, %ne3A_434 : i1
          %sub3A_436 = arith.constant 1 : i32
          %sub3A_437 = arith.subi %div3A_416, %sub3A_436 : i32
          %select_n3A_438 = arith.select %and3A_435, %sub3A_437, %div3A_416 : i32
          %while3A_439 = arith.constant 0 : i32
          %while3A_440 = arith.constant 0 : i32
          %while3A_441 = arith.subi %select_n3A_438, %while3A_439 : i32
          %while3A_442 = arith.addi %while3A_439, %while3A_441 : i32
          %while3A_443 = arith.constant 1 : i32
          %while3A_444 = arith.divsi %while3A_441, %while3A_443 : i32
          %while3A_445 = arith.muli %while3A_444, %while3A_443 : i32
          %while3A_446 = arith.addi %while3A_439, %while3A_445 : i32
          %while3A_447 = arith.constant 1 : i32
          %while3A_448 = scf.for %while3A_451 = %while3A_439 to %while3A_446 step %while3A_447 iter_args(%while3A_452 = %while3A_440) -> (i32)  : i32 {
            %mul3A_453 = arith.constant 16 : i32
            %mul3A_454 = arith.muli %while3A_451, %mul3A_453 : i32
            %get3A_455 = arith.index_cast %mul3A_454 : i32 to index
            %get3A_456 = tpu.vector_load %arg13[%get3A_455] {strides = array<i32>} : memref<2048xi32, #tpu.memory_space<vmem>>, vector<16xi32>,
            tpu.vector_store_idx %arg7[%get3A_456], %convert_element_type3A : memref<52432xf32, #tpu.memory_space<vmem>>[vector<16xi32>], vector<16xf32>,
            %while3A_457 = arith.constant 0 : i32
            scf.yield %while3A_457 : i32
          }
          %while3A_449 = arith.constant 1 : i32
          %while3A_450 = scf.for %while3A_451 = %while3A_446 to %while3A_442 step %while3A_449 iter_args(%while3A_452 = %while3A_448) -> (i32)  : i32 {
            %mul3A_453 = arith.constant 16 : i32
            %mul3A_454 = arith.muli %while3A_451, %mul3A_453 : i32
            %get3A_455 = arith.index_cast %mul3A_454 : i32 to index
            %get3A_456 = tpu.vector_load %arg13[%get3A_455] {strides = array<i32>} : memref<2048xi32, #tpu.memory_space<vmem>>, vector<16xi32>,
            tpu.vector_store_idx %arg7[%get3A_456], %convert_element_type3A : memref<52432xf32, #tpu.memory_space<vmem>>[vector<16xi32>], vector<16xf32>,
            %while3A_457 = arith.constant 0 : i32
            scf.yield %while3A_457 : i32
          }
        } else {
        }
        %gt3A_407 = arith.constant 1 : i32
        %gt3A_408 = arith.cmpi sgt, %select_n3A_402, %gt3A_407 : i32
        %convert_element_type3A_409 = arith.extui %gt3A_408 : i1 to i32
        %cond3A_410 = arith.constant 0 : i32
        %cond3A_411 = arith.cmpi ne, %convert_element_type3A_409, %cond3A_410 : i32
        scf.if %cond3A_411 {
          %scan3A_412 = arith.constant 0 : i32
          %scan3A_413 = arith.constant 0 : i32
          %scan3A_414 = arith.constant 409 : i32
          %scan3A_415 = arith.addi %scan3A_413, %scan3A_414 : i32
          %scan3A_416 = arith.constant 1 : i32
          %scan3A_417 = scf.for %scan3A_429 = %scan3A_413 to %scan3A_415 step %scan3A_416 iter_args(%scan3A_430 = %scan3A_412) -> (i32)  : i32 {
            %mul3A_431 = arith.constant 128 : i32
            %mul3A_432 = arith.muli %scan3A_429, %mul3A_431 : i32
            %add3A_433 = arith.constant 0 : i32
            %add3A_434 = arith.addi %mul3A_432, %add3A_433 : i32
            %swap3A_435 = arith.index_cast %add3A_434 : i32 to index
            %swap3A_436 = tpu.vector_load %arg7[%swap3A_435] {strides = array<i32>} : memref<52432xf32, #tpu.memory_space<vmem>>, vector<16xf32>,
            tpu.vector_store %arg7[%swap3A_435], %convert_element_type3A {strides = array<i32>} : memref<52432xf32, #tpu.memory_space<vmem>>, vector<16xf32>,
            %mul3A_437 = arith.constant 128 : i32
            %mul3A_438 = arith.muli %scan3A_429, %mul3A_437 : i32
            %add3A_439 = arith.constant 16 : i32
            %add3A_440 = arith.addi %mul3A_438, %add3A_439 : i32
            %swap3A_441 = arith.index_cast %add3A_440 : i32 to index
            %swap3A_442 = tpu.vector_load %arg7[%swap3A_441] {strides = array<i32>} : memref<52432xf32, #tpu.memory_space<vmem>>, vector<16xf32>,
            tpu.vector_store %arg7[%swap3A_441], %convert_element_type3A {strides = array<i32>} : memref<52432xf32, #tpu.memory_space<vmem>>, vector<16xf32>,
            %mul3A_443 = arith.constant 128 : i32
            %mul3A_444 = arith.muli %scan3A_429, %mul3A_443 : i32
            %add3A_445 = arith.constant 32 : i32
            %add3A_446 = arith.addi %mul3A_444, %add3A_445 : i32
            %swap3A_447 = arith.index_cast %add3A_446 : i32 to index
            %swap3A_448 = tpu.vector_load %arg7[%swap3A_447] {strides = array<i32>} : memref<52432xf32, #tpu.memory_space<vmem>>, vector<16xf32>,
            tpu.vector_store %arg7[%swap3A_447], %convert_element_type3A {strides = array<i32>} : memref<52432xf32, #tpu.memory_space<vmem>>, vector<16xf32>,
            %mul3A_449 = arith.constant 128 : i32
            %mul3A_450 = arith.muli %scan3A_429, %mul3A_449 : i32
            %add3A_451 = arith.constant 48 : i32
            %add3A_452 = arith.addi %mul3A_450, %add3A_451 : i32
            %swap3A_453 = arith.index_cast %add3A_452 : i32 to index
            %swap3A_454 = tpu.vector_load %arg7[%swap3A_453] {strides = array<i32>} : memref<52432xf32, #tpu.memory_space<vmem>>, vector<16xf32>,
            tpu.vector_store %arg7[%swap3A_453], %convert_element_type3A {strides = array<i32>} : memref<52432xf32, #tpu.memory_space<vmem>>, vector<16xf32>,
            %mul3A_455 = arith.constant 128 : i32
            %mul3A_456 = arith.muli %scan3A_429, %mul3A_455 : i32
            %add3A_457 = arith.constant 64 : i32
            %add3A_458 = arith.addi %mul3A_456, %add3A_457 : i32
            %swap3A_459 = arith.index_cast %add3A_458 : i32 to index
            %swap3A_460 = tpu.vector_load %arg7[%swap3A_459] {strides = array<i32>} : memref<52432xf32, #tpu.memory_space<vmem>>, vector<16xf32>,
            tpu.vector_store %arg7[%swap3A_459], %convert_element_type3A {strides = array<i32>} : memref<52432xf32, #tpu.memory_space<vmem>>, vector<16xf32>,
            %mul3A_461 = arith.constant 128 : i32
            %mul3A_462 = arith.muli %scan3A_429, %mul3A_461 : i32
            %add3A_463 = arith.constant 80 : i32
            %add3A_464 = arith.addi %mul3A_462, %add3A_463 : i32
            %swap3A_465 = arith.index_cast %add3A_464 : i32 to index
            %swap3A_466 = tpu.vector_load %arg7[%swap3A_465] {strides = array<i32>} : memref<52432xf32, #tpu.memory_space<vmem>>, vector<16xf32>,
            tpu.vector_store %arg7[%swap3A_465], %convert_element_type3A {strides = array<i32>} : memref<52432xf32, #tpu.memory_space<vmem>>, vector<16xf32>,
            %mul3A_467 = arith.constant 128 : i32
            %mul3A_468 = arith.muli %scan3A_429, %mul3A_467 : i32
            %add3A_469 = arith.constant 96 : i32
            %add3A_470 = arith.addi %mul3A_468, %add3A_469 : i32
            %swap3A_471 = arith.index_cast %add3A_470 : i32 to index
            %swap3A_472 = tpu.vector_load %arg7[%swap3A_471] {strides = array<i32>} : memref<52432xf32, #tpu.memory_space<vmem>>, vector<16xf32>,
            tpu.vector_store %arg7[%swap3A_471], %convert_element_type3A {strides = array<i32>} : memref<52432xf32, #tpu.memory_space<vmem>>, vector<16xf32>,
            %mul3A_473 = arith.constant 128 : i32
            %mul3A_474 = arith.muli %scan3A_429, %mul3A_473 : i32
            %add3A_475 = arith.constant 112 : i32
            %add3A_476 = arith.addi %mul3A_474, %add3A_475 : i32
            %swap3A_477 = arith.index_cast %add3A_476 : i32 to index
            %swap3A_478 = tpu.vector_load %arg7[%swap3A_477] {strides = array<i32>} : memref<52432xf32, #tpu.memory_space<vmem>>, vector<16xf32>,
            tpu.vector_store %arg7[%swap3A_477], %convert_element_type3A {strides = array<i32>} : memref<52432xf32, #tpu.memory_space<vmem>>, vector<16xf32>,
            %scan3A_479 = arith.constant 0 : i32
            scf.yield %scan3A_479 : i32
          }
          %scan3A_418 = arith.constant 409 : i32
          %swap3A_419 = arith.constant 52352 : index
          %swap3A_420 = tpu.vector_load %arg7[%swap3A_419] {strides = array<i32>} : memref<52432xf32, #tpu.memory_space<vmem>>, vector<16xf32>,
          tpu.vector_store %arg7[%swap3A_419], %convert_element_type3A {strides = array<i32>} : memref<52432xf32, #tpu.memory_space<vmem>>, vector<16xf32>,
          %swap3A_421 = arith.constant 52368 : index
          %swap3A_422 = tpu.vector_load %arg7[%swap3A_421] {strides = array<i32>} : memref<52432xf32, #tpu.memory_space<vmem>>, vector<16xf32>,
          tpu.vector_store %arg7[%swap3A_421], %convert_element_type3A {strides = array<i32>} : memref<52432xf32, #tpu.memory_space<vmem>>, vector<16xf32>,
          %swap3A_423 = arith.constant 52384 : index
          %swap3A_424 = tpu.vector_load %arg7[%swap3A_423] {strides = array<i32>} : memref<52432xf32, #tpu.memory_space<vmem>>, vector<16xf32>,
          tpu.vector_store %arg7[%swap3A_423], %convert_element_type3A {strides = array<i32>} : memref<52432xf32, #tpu.memory_space<vmem>>, vector<16xf32>,
          %swap3A_425 = arith.constant 52400 : index
          %swap3A_426 = tpu.vector_load %arg7[%swap3A_425] {strides = array<i32>} : memref<52432xf32, #tpu.memory_space<vmem>>, vector<16xf32>,
          tpu.vector_store %arg7[%swap3A_425], %convert_element_type3A {strides = array<i32>} : memref<52432xf32, #tpu.memory_space<vmem>>, vector<16xf32>,
          %swap3A_427 = arith.constant 52416 : index
          %swap3A_428 = tpu.vector_load %arg7[%swap3A_427] {strides = array<i32>} : memref<52432xf32, #tpu.memory_space<vmem>>, vector<16xf32>,
          tpu.vector_store %arg7[%swap3A_427], %convert_element_type3A {strides = array<i32>} : memref<52432xf32, #tpu.memory_space<vmem>>, vector<16xf32>,
        } else {
        }
      } else {
      }
      %dma_wait3A_147 = arith.constant 0 : i32
      %dma_wait3A_148 = tpu.memref_slice %arg2[%dma_wait3A_147] : memref<173952xi32, #tpu.memory_space<hbm>> -> memref<2080xi32, #tpu.memory_space<hbm>>
      %dma_wait3A_149 = arith.constant 0 : i32
      %dma_wait3A_150 = tpu.memref_slice %arg2[%dma_wait3A_149] : memref<173952xi32, #tpu.memory_space<hbm>> -> memref<2080xi32, #tpu.memory_space<hbm>>
      tpu.wait_dma2 semaphore(%arg17 : memref<!tpu.dma_semaphore, #tpu.memory_space<semaphore_mem>>) src(%dma_wait3A_150 : memref<2080xi32, #tpu.memory_space<hbm>>) dst(%arg9 : memref<2080xi32, #tpu.memory_space<vmem>>)
      %dma_wait3A_151 = arith.constant 0 : i32
      %dma_wait3A_152 = tpu.memref_slice %arg3[%dma_wait3A_151] : memref<173952xf32, #tpu.memory_space<hbm>> -> memref<2048xf32, #tpu.memory_space<hbm>>
      %dma_wait3A_153 = arith.constant 0 : i32
      %dma_wait3A_154 = tpu.memref_slice %arg3[%dma_wait3A_153] : memref<173952xf32, #tpu.memory_space<hbm>> -> memref<2048xf32, #tpu.memory_space<hbm>>
      tpu.wait_dma2 semaphore(%arg17 : memref<!tpu.dma_semaphore, #tpu.memory_space<semaphore_mem>>) src(%dma_wait3A_154 : memref<2048xf32, #tpu.memory_space<hbm>>) dst(%arg11 : memref<2048xf32, #tpu.memory_space<vmem>>)
      %sub3A_155 = arith.subi %squeeze3A_112, %and3A_114 : i32
      %add3A_156 = arith.constant 15 : i32
      %add3A_157 = arith.addi %sub3A_155, %add3A_156 : i32
      %jit3A_158 = arith.constant 16 : i32
      %div3A_159 = arith.divsi %add3A_157, %jit3A_158 : i32
      %sign3A_160 = arith.constant 0 : i32
      %sign3A_161 = arith.cmpi sgt, %add3A_157, %sign3A_160 : i32
      %sign3A_162 = arith.extui %sign3A_161 : i1 to i32
      %sign3A_163 = arith.constant 0 : i32
      %sign3A_164 = arith.cmpi slt, %add3A_157, %sign3A_163 : i32
      %sign3A_165 = arith.extui %sign3A_164 : i1 to i32
      %sign3A_166 = arith.subi %sign3A_162, %sign3A_165 : i32
      %sign3A_167 = arith.constant 0 : i32
      %sign3A_168 = arith.cmpi sgt, %jit3A_158, %sign3A_167 : i32
      %sign3A_169 = arith.extui %sign3A_168 : i1 to i32
      %sign3A_170 = arith.constant 0 : i32
      %sign3A_171 = arith.cmpi slt, %jit3A_158, %sign3A_170 : i32
      %sign3A_172 = arith.extui %sign3A_171 : i1 to i32
      %sign3A_173 = arith.subi %sign3A_169, %sign3A_172 : i32
      %ne3A_174 = arith.cmpi ne, %sign3A_166, %sign3A_173 : i32
      %rem3A_175 = arith.remsi %add3A_157, %jit3A_158 : i32
      %ne3A_176 = arith.constant 0 : i32
      %ne3A_177 = arith.cmpi ne, %rem3A_175, %ne3A_176 : i32
      %and3A_178 = arith.andi %ne3A_174, %ne3A_177 : i1
      %sub3A_179 = arith.constant 1 : i32
      %sub3A_180 = arith.subi %div3A_159, %sub3A_179 : i32
      %select_n3A_181 = arith.select %and3A_178, %sub3A_180, %div3A_159 : i32
      %min3A = arith.constant 128 : i32
      %min3A_182 = arith.minsi %select_n3A_181, %min3A : i32
      %while3A = arith.constant 0 : i32
      %while3A_183 = arith.constant 0 : i32
      %while3A_184 = arith.subi %min3A_182, %while3A : i32
      %while3A_185 = arith.addi %while3A, %while3A_184 : i32
      %while3A_186 = arith.constant 1 : i32
      %while3A_187 = arith.divsi %while3A_184, %while3A_186 : i32
      %while3A_188 = arith.muli %while3A_187, %while3A_186 : i32
      %while3A_189 = arith.addi %while3A, %while3A_188 : i32
      %while3A_190 = arith.constant 1 : i32
      %while3A_191 = scf.for %while3A_361 = %while3A to %while3A_189 step %while3A_190 iter_args(%while3A_362 = %while3A_183) -> (i32)  : i32 {
        %mul3A_363 = arith.constant 16 : i32
        %mul3A_364 = arith.muli %while3A_361, %mul3A_363 : i32
        %get3A_365 = arith.index_cast %mul3A_364 : i32 to index
        %get3A_366 = tpu.vector_load %arg9[%get3A_365] {strides = array<i32>} : memref<2080xi32, #tpu.memory_space<vmem>>, vector<16xi32>,
        %add3A_367 = arith.constant 1 : i32
        %add3A_368 = arith.addi %mul3A_364, %add3A_367 : i32
        %get3A_369 = arith.index_cast %add3A_368 : i32 to index
        %get3A_370 = tpu.vector_load %arg9[%get3A_369] {strides = array<i32>} : memref<2080xi32, #tpu.memory_space<vmem>>, vector<16xi32>,
        %get3A_371 = arith.index_cast %mul3A_364 : i32 to index
        %get3A_372 = tpu.vector_load %arg11[%get3A_371] {strides = array<i32>} : memref<2048xf32, #tpu.memory_space<vmem>>, vector<16xf32>,
        %add3A_373 = arith.addi %and3A_114, %mul3A_364 : i32
        %add3A_374 = vector.broadcast %add3A_373 : i32 to vector<16xi32>
        %add3A_375 = arith.addi %add3A_374, %iota3A : vector<16xi32>
        %ne3A_376 = arith.cmpi ne, %get3A_366, %get3A_370 : vector<16xi32>
        %ge3A_377 = vector.broadcast %squeeze3A_110 : i32 to vector<16xi32>
        %ge3A_378 = arith.cmpi sge, %add3A_375, %ge3A_377 : vector<16xi32>
        %and3A_379 = arith.andi %ne3A_376, %ge3A_378 : vector<16xi1>
        %lt3A = vector.broadcast %squeeze3A_112 : i32 to vector<16xi32>
        %lt3A_380 = arith.cmpi slt, %add3A_375, %lt3A : vector<16xi32>
        %and3A_381 = arith.andi %and3A_379, %lt3A_380 : vector<16xi1>
        %sub3A_382 = arith.subi %get3A_366, %broadcast_in_dim3A : vector<16xi32>
        %mul3A_383 = arith.constant 0 : i32
        %mul3A_384 = vector.broadcast %mul3A_383 : i32 to vector<16xi32>
        %mul3A_385 = arith.muli %iota3A, %mul3A_384 : vector<16xi32>
        %select_n3A_386 = arith.select %and3A_381, %sub3A_382, %mul3A_385 : vector<16xi1>, vector<16xi32>
        %select_n3A_387 = arith.select %and3A_381, %get3A_372, %broadcast_in_dim3A_142 : vector<16xi1>, vector<16xf32>
        tpu.vector_store_idx %arg7[%select_n3A_386], %select_n3A_387 : memref<52432xf32, #tpu.memory_space<vmem>>[vector<16xi32>], vector<16xf32>,
        %swap3A_388 = arith.index_cast %mul3A_364 : i32 to index
        %swap3A_389 = tpu.vector_load %arg13[%swap3A_388] {strides = array<i32>} : memref<2048xi32, #tpu.memory_space<vmem>>, vector<16xi32>,
        tpu.vector_store %arg13[%swap3A_388], %select_n3A_386 {strides = array<i32>} : memref<2048xi32, #tpu.memory_space<vmem>>, vector<16xi32>,
        %while3A_390 = arith.constant 0 : i32
        scf.yield %while3A_390 : i32
      }
      %while3A_192 = arith.constant 1 : i32
      %while3A_193 = scf.for %while3A_361 = %while3A_189 to %while3A_185 step %while3A_192 iter_args(%while3A_362 = %while3A_191) -> (i32)  : i32 {
        %mul3A_363 = arith.constant 16 : i32
        %mul3A_364 = arith.muli %while3A_361, %mul3A_363 : i32
        %get3A_365 = arith.index_cast %mul3A_364 : i32 to index
        %get3A_366 = tpu.vector_load %arg9[%get3A_365] {strides = array<i32>} : memref<2080xi32, #tpu.memory_space<vmem>>, vector<16xi32>,
        %add3A_367 = arith.constant 1 : i32
        %add3A_368 = arith.addi %mul3A_364, %add3A_367 : i32
        %get3A_369 = arith.index_cast %add3A_368 : i32 to index
        %get3A_370 = tpu.vector_load %arg9[%get3A_369] {strides = array<i32>} : memref<2080xi32, #tpu.memory_space<vmem>>, vector<16xi32>,
        %get3A_371 = arith.index_cast %mul3A_364 : i32 to index
        %get3A_372 = tpu.vector_load %arg11[%get3A_371] {strides = array<i32>} : memref<2048xf32, #tpu.memory_space<vmem>>, vector<16xf32>,
        %add3A_373 = arith.addi %and3A_114, %mul3A_364 : i32
        %add3A_374 = vector.broadcast %add3A_373 : i32 to vector<16xi32>
        %add3A_375 = arith.addi %add3A_374, %iota3A : vector<16xi32>
        %ne3A_376 = arith.cmpi ne, %get3A_366, %get3A_370 : vector<16xi32>
        %ge3A_377 = vector.broadcast %squeeze3A_110 : i32 to vector<16xi32>
        %ge3A_378 = arith.cmpi sge, %add3A_375, %ge3A_377 : vector<16xi32>
        %and3A_379 = arith.andi %ne3A_376, %ge3A_378 : vector<16xi1>
        %lt3A = vector.broadcast %squeeze3A_112 : i32 to vector<16xi32>
        %lt3A_380 = arith.cmpi slt, %add3A_375, %lt3A : vector<16xi32>
        %and3A_381 = arith.andi %and3A_379, %lt3A_380 : vector<16xi1>
        %sub3A_382 = arith.subi %get3A_366, %broadcast_in_dim3A : vector<16xi32>
        %mul3A_383 = arith.constant 0 : i32
        %mul3A_384 = vector.broadcast %mul3A_383 : i32 to vector<16xi32>
        %mul3A_385 = arith.muli %iota3A, %mul3A_384 : vector<16xi32>
        %select_n3A_386 = arith.select %and3A_381, %sub3A_382, %mul3A_385 : vector<16xi1>, vector<16xi32>
        %select_n3A_387 = arith.select %and3A_381, %get3A_372, %broadcast_in_dim3A_142 : vector<16xi1>, vector<16xf32>
        tpu.vector_store_idx %arg7[%select_n3A_386], %select_n3A_387 : memref<52432xf32, #tpu.memory_space<vmem>>[vector<16xi32>], vector<16xf32>,
        %swap3A_388 = arith.index_cast %mul3A_364 : i32 to index
        %swap3A_389 = tpu.vector_load %arg13[%swap3A_388] {strides = array<i32>} : memref<2048xi32, #tpu.memory_space<vmem>>, vector<16xi32>,
        tpu.vector_store %arg13[%swap3A_388], %select_n3A_386 {strides = array<i32>} : memref<2048xi32, #tpu.memory_space<vmem>>, vector<16xi32>,
        %while3A_390 = arith.constant 0 : i32
        scf.yield %while3A_390 : i32
      }
      %gt3A = arith.constant 1 : i32
      %gt3A_194 = arith.cmpi sgt, %select_n3A, %gt3A : i32
      %convert_element_type3A_195 = arith.extui %gt3A_194 : i1 to i32
      %cond3A_196 = arith.constant 0 : i32
      %cond3A_197 = arith.cmpi ne, %convert_element_type3A_195, %cond3A_196 : i32
      scf.if %cond3A_197 {
        %while3A_361 = arith.constant 1 : i32
        %while3A_362 = arith.constant 0 : i32
        %while3A_363 = arith.subi %select_n3A, %while3A_361 : i32
        %while3A_364 = arith.addi %while3A_361, %while3A_363 : i32
        %while3A_365 = arith.constant 1 : i32
        %while3A_366 = arith.divsi %while3A_363, %while3A_365 : i32
        %while3A_367 = arith.muli %while3A_366, %while3A_365 : i32
        %while3A_368 = arith.addi %while3A_361, %while3A_367 : i32
        %while3A_369 = arith.constant 1 : i32
        %while3A_370 = scf.for %while3A_373 = %while3A_361 to %while3A_368 step %while3A_369 iter_args(%while3A_374 = %while3A_362) -> (i32)  : i32 {
          %mul3A_375 = arith.constant 2048 : i32
          %mul3A_376 = arith.muli %while3A_373, %mul3A_375 : i32
          %add3A_377 = arith.addi %and3A_114, %mul3A_376 : i32
          %multiple_of3A_378 = tpu.assume_multiple %add3A_377, 8 : i32
          "tpu.region"() ({
            %run_scoped3A = tpu.sem_alloc : memref<!tpu.dma_semaphore, #tpu.memory_space<semaphore_mem>>
            %dma_start3A_387 = tpu.memref_slice %arg2[%multiple_of3A_378] : memref<173952xi32, #tpu.memory_space<hbm>> -> memref<2080xi32, #tpu.memory_space<hbm>>
            %dma_start3A_388 = tpu.memref_slice %arg2[%multiple_of3A_378] : memref<173952xi32, #tpu.memory_space<hbm>> -> memref<2080xi32, #tpu.memory_space<hbm>>
            tpu.enqueue_dma source(%dma_start3A_388 : memref<2080xi32, #tpu.memory_space<hbm>>) target(%arg9 : memref<2080xi32, #tpu.memory_space<vmem>>) target_semaphore(%run_scoped3A : memref<!tpu.dma_semaphore, #tpu.memory_space<semaphore_mem>>)
            %dma_wait3A_389 = tpu.memref_slice %arg2[%multiple_of3A_378] : memref<173952xi32, #tpu.memory_space<hbm>> -> memref<2080xi32, #tpu.memory_space<hbm>>
            %dma_wait3A_390 = tpu.memref_slice %arg2[%multiple_of3A_378] : memref<173952xi32, #tpu.memory_space<hbm>> -> memref<2080xi32, #tpu.memory_space<hbm>>
            tpu.wait_dma2 semaphore(%run_scoped3A : memref<!tpu.dma_semaphore, #tpu.memory_space<semaphore_mem>>) src(%dma_wait3A_390 : memref<2080xi32, #tpu.memory_space<hbm>>) dst(%arg9 : memref<2080xi32, #tpu.memory_space<vmem>>)
            tpu.yield
          }) : () -> ()
          "tpu.region"() ({
            %run_scoped3A = tpu.sem_alloc : memref<!tpu.dma_semaphore, #tpu.memory_space<semaphore_mem>>
            %dma_start3A_387 = tpu.memref_slice %arg3[%multiple_of3A_378] : memref<173952xf32, #tpu.memory_space<hbm>> -> memref<2048xf32, #tpu.memory_space<hbm>>
            %dma_start3A_388 = tpu.memref_slice %arg3[%multiple_of3A_378] : memref<173952xf32, #tpu.memory_space<hbm>> -> memref<2048xf32, #tpu.memory_space<hbm>>
            tpu.enqueue_dma source(%dma_start3A_388 : memref<2048xf32, #tpu.memory_space<hbm>>) target(%arg11 : memref<2048xf32, #tpu.memory_space<vmem>>) target_semaphore(%run_scoped3A : memref<!tpu.dma_semaphore, #tpu.memory_space<semaphore_mem>>)
            %dma_wait3A_389 = tpu.memref_slice %arg3[%multiple_of3A_378] : memref<173952xf32, #tpu.memory_space<hbm>> -> memref<2048xf32, #tpu.memory_space<hbm>>
            %dma_wait3A_390 = tpu.memref_slice %arg3[%multiple_of3A_378] : memref<173952xf32, #tpu.memory_space<hbm>> -> memref<2048xf32, #tpu.memory_space<hbm>>
            tpu.wait_dma2 semaphore(%run_scoped3A : memref<!tpu.dma_semaphore, #tpu.memory_space<semaphore_mem>>) src(%dma_wait3A_390 : memref<2048xf32, #tpu.memory_space<hbm>>) dst(%arg11 : memref<2048xf32, #tpu.memory_space<vmem>>)
            tpu.yield
          }) : () -> ()
          %scan3A_379 = arith.constant 0 : i32
          %scan3A_380 = arith.constant 0 : i32
          %scan3A_381 = arith.constant 128 : i32
          %scan3A_382 = arith.addi %scan3A_380, %scan3A_381 : i32
          %scan3A_383 = arith.constant 1 : i32
          %scan3A_384 = scf.for %scan3A_387 = %scan3A_380 to %scan3A_382 step %scan3A_383 iter_args(%scan3A_388 = %scan3A_379) -> (i32)  : i32 {
            %mul3A_389 = arith.constant 16 : i32
            %mul3A_390 = arith.muli %scan3A_387, %mul3A_389 : i32
            %get3A_391 = arith.index_cast %mul3A_390 : i32 to index
            %get3A_392 = tpu.vector_load %arg9[%get3A_391] {strides = array<i32>} : memref<2080xi32, #tpu.memory_space<vmem>>, vector<16xi32>,
            %add3A_393 = arith.constant 1 : i32
            %add3A_394 = arith.addi %mul3A_390, %add3A_393 : i32
            %get3A_395 = arith.index_cast %add3A_394 : i32 to index
            %get3A_396 = tpu.vector_load %arg9[%get3A_395] {strides = array<i32>} : memref<2080xi32, #tpu.memory_space<vmem>>, vector<16xi32>,
            %get3A_397 = arith.index_cast %mul3A_390 : i32 to index
            %get3A_398 = tpu.vector_load %arg11[%get3A_397] {strides = array<i32>} : memref<2048xf32, #tpu.memory_space<vmem>>, vector<16xf32>,
            %add3A_399 = arith.addi %multiple_of3A_378, %mul3A_390 : i32
            %add3A_400 = vector.broadcast %add3A_399 : i32 to vector<16xi32>
            %add3A_401 = arith.addi %add3A_400, %iota3A : vector<16xi32>
            %ne3A_402 = arith.cmpi ne, %get3A_392, %get3A_396 : vector<16xi32>
            %ge3A_403 = vector.broadcast %squeeze3A_110 : i32 to vector<16xi32>
            %ge3A_404 = arith.cmpi sge, %add3A_401, %ge3A_403 : vector<16xi32>
            %and3A_405 = arith.andi %ne3A_402, %ge3A_404 : vector<16xi1>
            %lt3A = vector.broadcast %squeeze3A_112 : i32 to vector<16xi32>
            %lt3A_406 = arith.cmpi slt, %add3A_401, %lt3A : vector<16xi32>
            %and3A_407 = arith.andi %and3A_405, %lt3A_406 : vector<16xi1>
            %sub3A_408 = arith.subi %get3A_392, %broadcast_in_dim3A : vector<16xi32>
            %mul3A_409 = arith.constant 0 : i32
            %mul3A_410 = vector.broadcast %mul3A_409 : i32 to vector<16xi32>
            %mul3A_411 = arith.muli %iota3A, %mul3A_410 : vector<16xi32>
            %select_n3A_412 = arith.select %and3A_407, %sub3A_408, %mul3A_411 : vector<16xi1>, vector<16xi32>
            %select_n3A_413 = arith.select %and3A_407, %get3A_398, %broadcast_in_dim3A_142 : vector<16xi1>, vector<16xf32>
            tpu.vector_store_idx %arg7[%select_n3A_412], %select_n3A_413 : memref<52432xf32, #tpu.memory_space<vmem>>[vector<16xi32>], vector<16xf32>,
            %scan3A_414 = arith.constant 0 : i32
            scf.yield %scan3A_414 : i32
          }
          %scan3A_385 = arith.constant 128 : i32
          %while3A_386 = arith.constant 0 : i32
          scf.yield %while3A_386 : i32
        }
        %while3A_371 = arith.constant 1 : i32
        %while3A_372 = scf.for %while3A_373 = %while3A_368 to %while3A_364 step %while3A_371 iter_args(%while3A_374 = %while3A_370) -> (i32)  : i32 {
          %mul3A_375 = arith.constant 2048 : i32
          %mul3A_376 = arith.muli %while3A_373, %mul3A_375 : i32
          %add3A_377 = arith.addi %and3A_114, %mul3A_376 : i32
          %multiple_of3A_378 = tpu.assume_multiple %add3A_377, 8 : i32
          "tpu.region"() ({
            %run_scoped3A = tpu.sem_alloc : memref<!tpu.dma_semaphore, #tpu.memory_space<semaphore_mem>>
            %dma_start3A_387 = tpu.memref_slice %arg2[%multiple_of3A_378] : memref<173952xi32, #tpu.memory_space<hbm>> -> memref<2080xi32, #tpu.memory_space<hbm>>
            %dma_start3A_388 = tpu.memref_slice %arg2[%multiple_of3A_378] : memref<173952xi32, #tpu.memory_space<hbm>> -> memref<2080xi32, #tpu.memory_space<hbm>>
            tpu.enqueue_dma source(%dma_start3A_388 : memref<2080xi32, #tpu.memory_space<hbm>>) target(%arg9 : memref<2080xi32, #tpu.memory_space<vmem>>) target_semaphore(%run_scoped3A : memref<!tpu.dma_semaphore, #tpu.memory_space<semaphore_mem>>)
            %dma_wait3A_389 = tpu.memref_slice %arg2[%multiple_of3A_378] : memref<173952xi32, #tpu.memory_space<hbm>> -> memref<2080xi32, #tpu.memory_space<hbm>>
            %dma_wait3A_390 = tpu.memref_slice %arg2[%multiple_of3A_378] : memref<173952xi32, #tpu.memory_space<hbm>> -> memref<2080xi32, #tpu.memory_space<hbm>>
            tpu.wait_dma2 semaphore(%run_scoped3A : memref<!tpu.dma_semaphore, #tpu.memory_space<semaphore_mem>>) src(%dma_wait3A_390 : memref<2080xi32, #tpu.memory_space<hbm>>) dst(%arg9 : memref<2080xi32, #tpu.memory_space<vmem>>)
            tpu.yield
          }) : () -> ()
          "tpu.region"() ({
            %run_scoped3A = tpu.sem_alloc : memref<!tpu.dma_semaphore, #tpu.memory_space<semaphore_mem>>
            %dma_start3A_387 = tpu.memref_slice %arg3[%multiple_of3A_378] : memref<173952xf32, #tpu.memory_space<hbm>> -> memref<2048xf32, #tpu.memory_space<hbm>>
            %dma_start3A_388 = tpu.memref_slice %arg3[%multiple_of3A_378] : memref<173952xf32, #tpu.memory_space<hbm>> -> memref<2048xf32, #tpu.memory_space<hbm>>
            tpu.enqueue_dma source(%dma_start3A_388 : memref<2048xf32, #tpu.memory_space<hbm>>) target(%arg11 : memref<2048xf32, #tpu.memory_space<vmem>>) target_semaphore(%run_scoped3A : memref<!tpu.dma_semaphore, #tpu.memory_space<semaphore_mem>>)
            %dma_wait3A_389 = tpu.memref_slice %arg3[%multiple_of3A_378] : memref<173952xf32, #tpu.memory_space<hbm>> -> memref<2048xf32, #tpu.memory_space<hbm>>
            %dma_wait3A_390 = tpu.memref_slice %arg3[%multiple_of3A_378] : memref<173952xf32, #tpu.memory_space<hbm>> -> memref<2048xf32, #tpu.memory_space<hbm>>
            tpu.wait_dma2 semaphore(%run_scoped3A : memref<!tpu.dma_semaphore, #tpu.memory_space<semaphore_mem>>) src(%dma_wait3A_390 : memref<2048xf32, #tpu.memory_space<hbm>>) dst(%arg11 : memref<2048xf32, #tpu.memory_space<vmem>>)
            tpu.yield
          }) : () -> ()
          %scan3A_379 = arith.constant 0 : i32
          %scan3A_380 = arith.constant 0 : i32
          %scan3A_381 = arith.constant 128 : i32
          %scan3A_382 = arith.addi %scan3A_380, %scan3A_381 : i32
          %scan3A_383 = arith.constant 1 : i32
          %scan3A_384 = scf.for %scan3A_387 = %scan3A_380 to %scan3A_382 step %scan3A_383 iter_args(%scan3A_388 = %scan3A_379) -> (i32)  : i32 {
            %mul3A_389 = arith.constant 16 : i32
            %mul3A_390 = arith.muli %scan3A_387, %mul3A_389 : i32
            %get3A_391 = arith.index_cast %mul3A_390 : i32 to index
            %get3A_392 = tpu.vector_load %arg9[%get3A_391] {strides = array<i32>} : memref<2080xi32, #tpu.memory_space<vmem>>, vector<16xi32>,
            %add3A_393 = arith.constant 1 : i32
            %add3A_394 = arith.addi %mul3A_390, %add3A_393 : i32
            %get3A_395 = arith.index_cast %add3A_394 : i32 to index
            %get3A_396 = tpu.vector_load %arg9[%get3A_395] {strides = array<i32>} : memref<2080xi32, #tpu.memory_space<vmem>>, vector<16xi32>,
            %get3A_397 = arith.index_cast %mul3A_390 : i32 to index
            %get3A_398 = tpu.vector_load %arg11[%get3A_397] {strides = array<i32>} : memref<2048xf32, #tpu.memory_space<vmem>>, vector<16xf32>,
            %add3A_399 = arith.addi %multiple_of3A_378, %mul3A_390 : i32
            %add3A_400 = vector.broadcast %add3A_399 : i32 to vector<16xi32>
            %add3A_401 = arith.addi %add3A_400, %iota3A : vector<16xi32>
            %ne3A_402 = arith.cmpi ne, %get3A_392, %get3A_396 : vector<16xi32>
            %ge3A_403 = vector.broadcast %squeeze3A_110 : i32 to vector<16xi32>
            %ge3A_404 = arith.cmpi sge, %add3A_401, %ge3A_403 : vector<16xi32>
            %and3A_405 = arith.andi %ne3A_402, %ge3A_404 : vector<16xi1>
            %lt3A = vector.broadcast %squeeze3A_112 : i32 to vector<16xi32>
            %lt3A_406 = arith.cmpi slt, %add3A_401, %lt3A : vector<16xi32>
            %and3A_407 = arith.andi %and3A_405, %lt3A_406 : vector<16xi1>
            %sub3A_408 = arith.subi %get3A_392, %broadcast_in_dim3A : vector<16xi32>
            %mul3A_409 = arith.constant 0 : i32
            %mul3A_410 = vector.broadcast %mul3A_409 : i32 to vector<16xi32>
            %mul3A_411 = arith.muli %iota3A, %mul3A_410 : vector<16xi32>
            %select_n3A_412 = arith.select %and3A_407, %sub3A_408, %mul3A_411 : vector<16xi1>, vector<16xi32>
            %select_n3A_413 = arith.select %and3A_407, %get3A_398, %broadcast_in_dim3A_142 : vector<16xi1>, vector<16xf32>
            tpu.vector_store_idx %arg7[%select_n3A_412], %select_n3A_413 : memref<52432xf32, #tpu.memory_space<vmem>>[vector<16xi32>], vector<16xf32>,
            %scan3A_414 = arith.constant 0 : i32
            scf.yield %scan3A_414 : i32
          }
          %scan3A_385 = arith.constant 128 : i32
          %while3A_386 = arith.constant 0 : i32
          scf.yield %while3A_386 : i32
        }
      } else {
      }
      %add3A_198 = arith.constant 2 : i32
      %add3A_199 = arith.addi %add3A_104, %add3A_198 : i32
      %add3A_200 = arith.addi %mul3A_2, %add3A_199 : i32
      %get3A_201 = arith.index_cast %add3A_200 : i32 to index
      %get3A_202 = tpu.vector_load %arg15[%get3A_201] {strides = array<i32>} : memref<352xi32, #tpu.memory_space<vmem>>, vector<16xi32>,
      %slice3A_203 = vector.extract_strided_slice %get3A_202 {offsets = [0], sizes = [1], strides = [1]} : vector<16xi32> to vector<1xi32>
      %squeeze3A_204 = vector.extract %slice3A_203[0] : i32 from vector<1xi32>
      %slice3A_205 = vector.extract_strided_slice %get3A_202 {offsets = [1], sizes = [1], strides = [1]} : vector<16xi32> to vector<1xi32>
      %squeeze3A_206 = vector.extract %slice3A_205[0] : i32 from vector<1xi32>
      %and3A_207 = arith.constant -8 : i32
      %and3A_208 = arith.andi %squeeze3A_204, %and3A_207 : i32
      %multiple_of3A_209 = tpu.assume_multiple %and3A_208, 8 : i32
      %dma_start3A_210 = tpu.memref_slice %arg2[%multiple_of3A_209] : memref<173952xi32, #tpu.memory_space<hbm>> -> memref<2080xi32, #tpu.memory_space<hbm>>
      %dma_start3A_211 = tpu.memref_slice %arg2[%multiple_of3A_209] : memref<173952xi32, #tpu.memory_space<hbm>> -> memref<2080xi32, #tpu.memory_space<hbm>>
      tpu.enqueue_dma source(%dma_start3A_211 : memref<2080xi32, #tpu.memory_space<hbm>>) target(%arg9 : memref<2080xi32, #tpu.memory_space<vmem>>) target_semaphore(%arg17 : memref<!tpu.dma_semaphore, #tpu.memory_space<semaphore_mem>>)
      %dma_start3A_212 = tpu.memref_slice %arg3[%multiple_of3A_209] : memref<173952xf32, #tpu.memory_space<hbm>> -> memref<2048xf32, #tpu.memory_space<hbm>>
      %dma_start3A_213 = tpu.memref_slice %arg3[%multiple_of3A_209] : memref<173952xf32, #tpu.memory_space<hbm>> -> memref<2048xf32, #tpu.memory_space<hbm>>
      tpu.enqueue_dma source(%dma_start3A_213 : memref<2048xf32, #tpu.memory_space<hbm>>) target(%arg11 : memref<2048xf32, #tpu.memory_space<vmem>>) target_semaphore(%arg17 : memref<!tpu.dma_semaphore, #tpu.memory_space<semaphore_mem>>)
      %multiple_of3A_214 = tpu.assume_multiple %mul3A_137, 8 : i32
      %eq3A_215 = arith.constant 319 : i32
      %eq3A_216 = arith.cmpi eq, %add3A_105, %eq3A_215 : i32
      %convert_element_type3A_217 = arith.extui %eq3A_216 : i1 to i32
      %cond3A_218 = arith.constant 0 : i32
      %cond3A_219 = arith.cmpi ne, %convert_element_type3A_217, %cond3A_218 : i32
      scf.if %cond3A_219 {
        %dma_start3A_361 = arith.constant 0 : i32
        %dma_start3A_362 = tpu.memref_slice %arg7[%dma_start3A_361] : memref<52432xf32, #tpu.memory_space<vmem>> -> memref<51408xf32, #tpu.memory_space<vmem>>
        %dma_start3A_363 = tpu.memref_slice %arg6[%multiple_of3A_214] : memref<16777216xf32, #tpu.memory_space<hbm>> -> memref<51408xf32, #tpu.memory_space<hbm>>
        %dma_start3A_364 = tpu.memref_slice %arg6[%multiple_of3A_214] : memref<16777216xf32, #tpu.memory_space<hbm>> -> memref<51408xf32, #tpu.memory_space<hbm>>
        %dma_start3A_365 = arith.constant 0 : i32
        %dma_start3A_366 = tpu.memref_slice %arg7[%dma_start3A_365] : memref<52432xf32, #tpu.memory_space<vmem>> -> memref<51408xf32, #tpu.memory_space<vmem>>
        tpu.enqueue_dma source(%dma_start3A_366 : memref<51408xf32, #tpu.memory_space<vmem>>) target(%dma_start3A_364 : memref<51408xf32, #tpu.memory_space<hbm>>) target_semaphore(%arg18 : memref<!tpu.dma_semaphore, #tpu.memory_space<semaphore_mem>>)
      } else {
      }
      %ne3A_220 = arith.constant 319 : i32
      %ne3A_221 = arith.cmpi ne, %add3A_105, %ne3A_220 : i32
      %convert_element_type3A_222 = arith.extui %ne3A_221 : i1 to i32
      %cond3A_223 = arith.constant 0 : i32
      %cond3A_224 = arith.cmpi ne, %convert_element_type3A_222, %cond3A_223 : i32
      scf.if %cond3A_224 {
        %dma_start3A_361 = tpu.memref_slice %arg6[%multiple_of3A_214] : memref<16777216xf32, #tpu.memory_space<hbm>> -> memref<52432xf32, #tpu.memory_space<hbm>>
        %dma_start3A_362 = tpu.memref_slice %arg6[%multiple_of3A_214] : memref<16777216xf32, #tpu.memory_space<hbm>> -> memref<52432xf32, #tpu.memory_space<hbm>>
        tpu.enqueue_dma source(%arg7 : memref<52432xf32, #tpu.memory_space<vmem>>) target(%dma_start3A_362 : memref<52432xf32, #tpu.memory_space<hbm>>) target_semaphore(%arg18 : memref<!tpu.dma_semaphore, #tpu.memory_space<semaphore_mem>>)
      } else {
      }
      %mul3A_225 = arith.constant 2 : i32
      %mul3A_226 = arith.muli %scan3A_99, %mul3A_225 : i32
      %add3A_227 = arith.constant 1 : i32
      %add3A_228 = arith.addi %mul3A_226, %add3A_227 : i32
      %add3A_229 = arith.addi %mul3A_2, %add3A_228 : i32
      %add3A_230 = arith.addi %mul3A_2, %add3A_228 : i32
      %get3A_231 = arith.index_cast %add3A_230 : i32 to index
      %get3A_232 = tpu.vector_load %arg15[%get3A_231] {strides = array<i32>} : memref<352xi32, #tpu.memory_space<vmem>>, vector<16xi32>,
      %slice3A_233 = vector.extract_strided_slice %get3A_232 {offsets = [0], sizes = [1], strides = [1]} : vector<16xi32> to vector<1xi32>
      %squeeze3A_234 = vector.extract %slice3A_233[0] : i32 from vector<1xi32>
      %slice3A_235 = vector.extract_strided_slice %get3A_232 {offsets = [1], sizes = [1], strides = [1]} : vector<16xi32> to vector<1xi32>
      %squeeze3A_236 = vector.extract %slice3A_235[0] : i32 from vector<1xi32>
      %and3A_237 = arith.constant -8 : i32
      %and3A_238 = arith.andi %squeeze3A_234, %and3A_237 : i32
      %sub3A_239 = arith.subi %squeeze3A_236, %and3A_238 : i32
      %add3A_240 = arith.constant 2047 : i32
      %add3A_241 = arith.addi %sub3A_239, %add3A_240 : i32
      %jit3A_242 = arith.constant 2048 : i32
      %div3A_243 = arith.divsi %add3A_241, %jit3A_242 : i32
      %sign3A_244 = arith.constant 0 : i32
      %sign3A_245 = arith.cmpi sgt, %add3A_241, %sign3A_244 : i32
      %sign3A_246 = arith.extui %sign3A_245 : i1 to i32
      %sign3A_247 = arith.constant 0 : i32
      %sign3A_248 = arith.cmpi slt, %add3A_241, %sign3A_247 : i32
      %sign3A_249 = arith.extui %sign3A_248 : i1 to i32
      %sign3A_250 = arith.subi %sign3A_246, %sign3A_249 : i32
      %sign3A_251 = arith.constant 0 : i32
      %sign3A_252 = arith.cmpi sgt, %jit3A_242, %sign3A_251 : i32
      %sign3A_253 = arith.extui %sign3A_252 : i1 to i32
      %sign3A_254 = arith.constant 0 : i32
      %sign3A_255 = arith.cmpi slt, %jit3A_242, %sign3A_254 : i32
      %sign3A_256 = arith.extui %sign3A_255 : i1 to i32
      %sign3A_257 = arith.subi %sign3A_253, %sign3A_256 : i32
      %ne3A_258 = arith.cmpi ne, %sign3A_250, %sign3A_257 : i32
      %rem3A_259 = arith.remsi %add3A_241, %jit3A_242 : i32
      %ne3A_260 = arith.constant 0 : i32
      %ne3A_261 = arith.cmpi ne, %rem3A_259, %ne3A_260 : i32
      %and3A_262 = arith.andi %ne3A_258, %ne3A_261 : i1
      %sub3A_263 = arith.constant 1 : i32
      %sub3A_264 = arith.subi %div3A_243, %sub3A_263 : i32
      %select_n3A_265 = arith.select %and3A_262, %sub3A_264, %div3A_243 : i32
      %mul3A_266 = arith.constant 52432 : i32
      %mul3A_267 = arith.muli %add3A_229, %mul3A_266 : i32
      %broadcast_in_dim3A_268 = vector.broadcast %mul3A_267 : i32 to vector<16xi32>
      %get3A_269 = arith.index_cast %add3A_229 : i32 to index
      %get3A_270 = tpu.vector_load %arg16[%get3A_269] {strides = array<i32>} : memref<352xf32, #tpu.memory_space<vmem>>, vector<16xf32>,
      %slice3A_271 = vector.extract_strided_slice %get3A_270 {offsets = [0], sizes = [1], strides = [1]} : vector<16xf32> to vector<1xf32>
      %squeeze3A_272 = vector.extract %slice3A_271[0] : f32 from vector<1xf32>
      %broadcast_in_dim3A_273 = vector.broadcast %squeeze3A_272 : f32 to vector<16xf32>
      %ge3A_274 = arith.constant 2 : i32
      %ge3A_275 = arith.cmpi sge, %add3A_228, %ge3A_274 : i32
      %convert_element_type3A_276 = arith.extui %ge3A_275 : i1 to i32
      %cond3A_277 = arith.constant 0 : i32
      %cond3A_278 = arith.cmpi ne, %convert_element_type3A_276, %cond3A_277 : i32
      scf.if %cond3A_278 {
        %dma_wait3A_361 = arith.constant 0 : i32
        %dma_wait3A_362 = tpu.memref_slice %arg6[%dma_wait3A_361] : memref<16777216xf32, #tpu.memory_space<hbm>> -> memref<52432xf32, #tpu.memory_space<hbm>>
        %dma_wait3A_363 = arith.constant 0 : i32
        %dma_wait3A_364 = tpu.memref_slice %arg6[%dma_wait3A_363] : memref<16777216xf32, #tpu.memory_space<hbm>> -> memref<52432xf32, #tpu.memory_space<hbm>>
        tpu.wait_dma2 semaphore(%arg18 : memref<!tpu.dma_semaphore, #tpu.memory_space<semaphore_mem>>) src(%arg8 : memref<52432xf32, #tpu.memory_space<vmem>>) dst(%dma_wait3A_364 : memref<52432xf32, #tpu.memory_space<hbm>>)
        %sub3A_365 = arith.constant 2 : i32
        %sub3A_366 = arith.subi %add3A_228, %sub3A_365 : i32
        %add3A_367 = arith.addi %mul3A_2, %sub3A_366 : i32
        %get3A_368 = arith.index_cast %add3A_367 : i32 to index
        %get3A_369 = tpu.vector_load %arg15[%get3A_368] {strides = array<i32>} : memref<352xi32, #tpu.memory_space<vmem>>, vector<16xi32>,
        %slice3A_370 = vector.extract_strided_slice %get3A_369 {offsets = [0], sizes = [1], strides = [1]} : vector<16xi32> to vector<1xi32>
        %squeeze3A_371 = vector.extract %slice3A_370[0] : i32 from vector<1xi32>
        %slice3A_372 = vector.extract_strided_slice %get3A_369 {offsets = [1], sizes = [1], strides = [1]} : vector<16xi32> to vector<1xi32>
        %squeeze3A_373 = vector.extract %slice3A_372[0] : i32 from vector<1xi32>
        %and3A_374 = arith.constant -8 : i32
        %and3A_375 = arith.andi %squeeze3A_371, %and3A_374 : i32
        %sub3A_376 = arith.subi %squeeze3A_373, %and3A_375 : i32
        %add3A_377 = arith.constant 2047 : i32
        %add3A_378 = arith.addi %sub3A_376, %add3A_377 : i32
        %jit3A_379 = arith.constant 2048 : i32
        %div3A_380 = arith.divsi %add3A_378, %jit3A_379 : i32
        %sign3A_381 = arith.constant 0 : i32
        %sign3A_382 = arith.cmpi sgt, %add3A_378, %sign3A_381 : i32
        %sign3A_383 = arith.extui %sign3A_382 : i1 to i32
        %sign3A_384 = arith.constant 0 : i32
        %sign3A_385 = arith.cmpi slt, %add3A_378, %sign3A_384 : i32
        %sign3A_386 = arith.extui %sign3A_385 : i1 to i32
        %sign3A_387 = arith.subi %sign3A_383, %sign3A_386 : i32
        %sign3A_388 = arith.constant 0 : i32
        %sign3A_389 = arith.cmpi sgt, %jit3A_379, %sign3A_388 : i32
        %sign3A_390 = arith.extui %sign3A_389 : i1 to i32
        %sign3A_391 = arith.constant 0 : i32
        %sign3A_392 = arith.cmpi slt, %jit3A_379, %sign3A_391 : i32
        %sign3A_393 = arith.extui %sign3A_392 : i1 to i32
        %sign3A_394 = arith.subi %sign3A_390, %sign3A_393 : i32
        %ne3A_395 = arith.cmpi ne, %sign3A_387, %sign3A_394 : i32
        %rem3A_396 = arith.remsi %add3A_378, %jit3A_379 : i32
        %ne3A_397 = arith.constant 0 : i32
        %ne3A_398 = arith.cmpi ne, %rem3A_396, %ne3A_397 : i32
        %and3A_399 = arith.andi %ne3A_395, %ne3A_398 : i1
        %sub3A_400 = arith.constant 1 : i32
        %sub3A_401 = arith.subi %div3A_380, %sub3A_400 : i32
        %select_n3A_402 = arith.select %and3A_399, %sub3A_401, %div3A_380 : i32
        %le3A = arith.constant 1 : i32
        %le3A_403 = arith.cmpi sle, %select_n3A_402, %le3A : i32
        %convert_element_type3A_404 = arith.extui %le3A_403 : i1 to i32
        %cond3A_405 = arith.constant 0 : i32
        %cond3A_406 = arith.cmpi ne, %convert_element_type3A_404, %cond3A_405 : i32
        scf.if %cond3A_406 {
          %sub3A_412 = arith.subi %squeeze3A_373, %and3A_375 : i32
          %add3A_413 = arith.constant 15 : i32
          %add3A_414 = arith.addi %sub3A_412, %add3A_413 : i32
          %jit3A_415 = arith.constant 16 : i32
          %div3A_416 = arith.divsi %add3A_414, %jit3A_415 : i32
          %sign3A_417 = arith.constant 0 : i32
          %sign3A_418 = arith.cmpi sgt, %add3A_414, %sign3A_417 : i32
          %sign3A_419 = arith.extui %sign3A_418 : i1 to i32
          %sign3A_420 = arith.constant 0 : i32
          %sign3A_421 = arith.cmpi slt, %add3A_414, %sign3A_420 : i32
          %sign3A_422 = arith.extui %sign3A_421 : i1 to i32
          %sign3A_423 = arith.subi %sign3A_419, %sign3A_422 : i32
          %sign3A_424 = arith.constant 0 : i32
          %sign3A_425 = arith.cmpi sgt, %jit3A_415, %sign3A_424 : i32
          %sign3A_426 = arith.extui %sign3A_425 : i1 to i32
          %sign3A_427 = arith.constant 0 : i32
          %sign3A_428 = arith.cmpi slt, %jit3A_415, %sign3A_427 : i32
          %sign3A_429 = arith.extui %sign3A_428 : i1 to i32
          %sign3A_430 = arith.subi %sign3A_426, %sign3A_429 : i32
          %ne3A_431 = arith.cmpi ne, %sign3A_423, %sign3A_430 : i32
          %rem3A_432 = arith.remsi %add3A_414, %jit3A_415 : i32
          %ne3A_433 = arith.constant 0 : i32
          %ne3A_434 = arith.cmpi ne, %rem3A_432, %ne3A_433 : i32
          %and3A_435 = arith.andi %ne3A_431, %ne3A_434 : i1
          %sub3A_436 = arith.constant 1 : i32
          %sub3A_437 = arith.subi %div3A_416, %sub3A_436 : i32
          %select_n3A_438 = arith.select %and3A_435, %sub3A_437, %div3A_416 : i32
          %while3A_439 = arith.constant 0 : i32
          %while3A_440 = arith.constant 0 : i32
          %while3A_441 = arith.subi %select_n3A_438, %while3A_439 : i32
          %while3A_442 = arith.addi %while3A_439, %while3A_441 : i32
          %while3A_443 = arith.constant 1 : i32
          %while3A_444 = arith.divsi %while3A_441, %while3A_443 : i32
          %while3A_445 = arith.muli %while3A_444, %while3A_443 : i32
          %while3A_446 = arith.addi %while3A_439, %while3A_445 : i32
          %while3A_447 = arith.constant 1 : i32
          %while3A_448 = scf.for %while3A_451 = %while3A_439 to %while3A_446 step %while3A_447 iter_args(%while3A_452 = %while3A_440) -> (i32)  : i32 {
            %mul3A_453 = arith.constant 16 : i32
            %mul3A_454 = arith.muli %while3A_451, %mul3A_453 : i32
            %get3A_455 = arith.index_cast %mul3A_454 : i32 to index
            %get3A_456 = tpu.vector_load %arg14[%get3A_455] {strides = array<i32>} : memref<2048xi32, #tpu.memory_space<vmem>>, vector<16xi32>,
            tpu.vector_store_idx %arg8[%get3A_456], %convert_element_type3A : memref<52432xf32, #tpu.memory_space<vmem>>[vector<16xi32>], vector<16xf32>,
            %while3A_457 = arith.constant 0 : i32
            scf.yield %while3A_457 : i32
          }
          %while3A_449 = arith.constant 1 : i32
          %while3A_450 = scf.for %while3A_451 = %while3A_446 to %while3A_442 step %while3A_449 iter_args(%while3A_452 = %while3A_448) -> (i32)  : i32 {
            %mul3A_453 = arith.constant 16 : i32
            %mul3A_454 = arith.muli %while3A_451, %mul3A_453 : i32
            %get3A_455 = arith.index_cast %mul3A_454 : i32 to index
            %get3A_456 = tpu.vector_load %arg14[%get3A_455] {strides = array<i32>} : memref<2048xi32, #tpu.memory_space<vmem>>, vector<16xi32>,
            tpu.vector_store_idx %arg8[%get3A_456], %convert_element_type3A : memref<52432xf32, #tpu.memory_space<vmem>>[vector<16xi32>], vector<16xf32>,
            %while3A_457 = arith.constant 0 : i32
            scf.yield %while3A_457 : i32
          }
        } else {
        }
        %gt3A_407 = arith.constant 1 : i32
        %gt3A_408 = arith.cmpi sgt, %select_n3A_402, %gt3A_407 : i32
        %convert_element_type3A_409 = arith.extui %gt3A_408 : i1 to i32
        %cond3A_410 = arith.constant 0 : i32
        %cond3A_411 = arith.cmpi ne, %convert_element_type3A_409, %cond3A_410 : i32
        scf.if %cond3A_411 {
          %scan3A_412 = arith.constant 0 : i32
          %scan3A_413 = arith.constant 0 : i32
          %scan3A_414 = arith.constant 409 : i32
          %scan3A_415 = arith.addi %scan3A_413, %scan3A_414 : i32
          %scan3A_416 = arith.constant 1 : i32
          %scan3A_417 = scf.for %scan3A_429 = %scan3A_413 to %scan3A_415 step %scan3A_416 iter_args(%scan3A_430 = %scan3A_412) -> (i32)  : i32 {
            %mul3A_431 = arith.constant 128 : i32
            %mul3A_432 = arith.muli %scan3A_429, %mul3A_431 : i32
            %add3A_433 = arith.constant 0 : i32
            %add3A_434 = arith.addi %mul3A_432, %add3A_433 : i32
            %swap3A_435 = arith.index_cast %add3A_434 : i32 to index
            %swap3A_436 = tpu.vector_load %arg8[%swap3A_435] {strides = array<i32>} : memref<52432xf32, #tpu.memory_space<vmem>>, vector<16xf32>,
            tpu.vector_store %arg8[%swap3A_435], %convert_element_type3A {strides = array<i32>} : memref<52432xf32, #tpu.memory_space<vmem>>, vector<16xf32>,
            %mul3A_437 = arith.constant 128 : i32
            %mul3A_438 = arith.muli %scan3A_429, %mul3A_437 : i32
            %add3A_439 = arith.constant 16 : i32
            %add3A_440 = arith.addi %mul3A_438, %add3A_439 : i32
            %swap3A_441 = arith.index_cast %add3A_440 : i32 to index
            %swap3A_442 = tpu.vector_load %arg8[%swap3A_441] {strides = array<i32>} : memref<52432xf32, #tpu.memory_space<vmem>>, vector<16xf32>,
            tpu.vector_store %arg8[%swap3A_441], %convert_element_type3A {strides = array<i32>} : memref<52432xf32, #tpu.memory_space<vmem>>, vector<16xf32>,
            %mul3A_443 = arith.constant 128 : i32
            %mul3A_444 = arith.muli %scan3A_429, %mul3A_443 : i32
            %add3A_445 = arith.constant 32 : i32
            %add3A_446 = arith.addi %mul3A_444, %add3A_445 : i32
            %swap3A_447 = arith.index_cast %add3A_446 : i32 to index
            %swap3A_448 = tpu.vector_load %arg8[%swap3A_447] {strides = array<i32>} : memref<52432xf32, #tpu.memory_space<vmem>>, vector<16xf32>,
            tpu.vector_store %arg8[%swap3A_447], %convert_element_type3A {strides = array<i32>} : memref<52432xf32, #tpu.memory_space<vmem>>, vector<16xf32>,
            %mul3A_449 = arith.constant 128 : i32
            %mul3A_450 = arith.muli %scan3A_429, %mul3A_449 : i32
            %add3A_451 = arith.constant 48 : i32
            %add3A_452 = arith.addi %mul3A_450, %add3A_451 : i32
            %swap3A_453 = arith.index_cast %add3A_452 : i32 to index
            %swap3A_454 = tpu.vector_load %arg8[%swap3A_453] {strides = array<i32>} : memref<52432xf32, #tpu.memory_space<vmem>>, vector<16xf32>,
            tpu.vector_store %arg8[%swap3A_453], %convert_element_type3A {strides = array<i32>} : memref<52432xf32, #tpu.memory_space<vmem>>, vector<16xf32>,
            %mul3A_455 = arith.constant 128 : i32
            %mul3A_456 = arith.muli %scan3A_429, %mul3A_455 : i32
            %add3A_457 = arith.constant 64 : i32
            %add3A_458 = arith.addi %mul3A_456, %add3A_457 : i32
            %swap3A_459 = arith.index_cast %add3A_458 : i32 to index
            %swap3A_460 = tpu.vector_load %arg8[%swap3A_459] {strides = array<i32>} : memref<52432xf32, #tpu.memory_space<vmem>>, vector<16xf32>,
            tpu.vector_store %arg8[%swap3A_459], %convert_element_type3A {strides = array<i32>} : memref<52432xf32, #tpu.memory_space<vmem>>, vector<16xf32>,
            %mul3A_461 = arith.constant 128 : i32
            %mul3A_462 = arith.muli %scan3A_429, %mul3A_461 : i32
            %add3A_463 = arith.constant 80 : i32
            %add3A_464 = arith.addi %mul3A_462, %add3A_463 : i32
            %swap3A_465 = arith.index_cast %add3A_464 : i32 to index
            %swap3A_466 = tpu.vector_load %arg8[%swap3A_465] {strides = array<i32>} : memref<52432xf32, #tpu.memory_space<vmem>>, vector<16xf32>,
            tpu.vector_store %arg8[%swap3A_465], %convert_element_type3A {strides = array<i32>} : memref<52432xf32, #tpu.memory_space<vmem>>, vector<16xf32>,
            %mul3A_467 = arith.constant 128 : i32
            %mul3A_468 = arith.muli %scan3A_429, %mul3A_467 : i32
            %add3A_469 = arith.constant 96 : i32
            %add3A_470 = arith.addi %mul3A_468, %add3A_469 : i32
            %swap3A_471 = arith.index_cast %add3A_470 : i32 to index
            %swap3A_472 = tpu.vector_load %arg8[%swap3A_471] {strides = array<i32>} : memref<52432xf32, #tpu.memory_space<vmem>>, vector<16xf32>,
            tpu.vector_store %arg8[%swap3A_471], %convert_element_type3A {strides = array<i32>} : memref<52432xf32, #tpu.memory_space<vmem>>, vector<16xf32>,
            %mul3A_473 = arith.constant 128 : i32
            %mul3A_474 = arith.muli %scan3A_429, %mul3A_473 : i32
            %add3A_475 = arith.constant 112 : i32
            %add3A_476 = arith.addi %mul3A_474, %add3A_475 : i32
            %swap3A_477 = arith.index_cast %add3A_476 : i32 to index
            %swap3A_478 = tpu.vector_load %arg8[%swap3A_477] {strides = array<i32>} : memref<52432xf32, #tpu.memory_space<vmem>>, vector<16xf32>,
            tpu.vector_store %arg8[%swap3A_477], %convert_element_type3A {strides = array<i32>} : memref<52432xf32, #tpu.memory_space<vmem>>, vector<16xf32>,
            %scan3A_479 = arith.constant 0 : i32
            scf.yield %scan3A_479 : i32
          }
          %scan3A_418 = arith.constant 409 : i32
          %swap3A_419 = arith.constant 52352 : index
          %swap3A_420 = tpu.vector_load %arg8[%swap3A_419] {strides = array<i32>} : memref<52432xf32, #tpu.memory_space<vmem>>, vector<16xf32>,
          tpu.vector_store %arg8[%swap3A_419], %convert_element_type3A {strides = array<i32>} : memref<52432xf32, #tpu.memory_space<vmem>>, vector<16xf32>,
          %swap3A_421 = arith.constant 52368 : index
          %swap3A_422 = tpu.vector_load %arg8[%swap3A_421] {strides = array<i32>} : memref<52432xf32, #tpu.memory_space<vmem>>, vector<16xf32>,
          tpu.vector_store %arg8[%swap3A_421], %convert_element_type3A {strides = array<i32>} : memref<52432xf32, #tpu.memory_space<vmem>>, vector<16xf32>,
          %swap3A_423 = arith.constant 52384 : index
          %swap3A_424 = tpu.vector_load %arg8[%swap3A_423] {strides = array<i32>} : memref<52432xf32, #tpu.memory_space<vmem>>, vector<16xf32>,
          tpu.vector_store %arg8[%swap3A_423], %convert_element_type3A {strides = array<i32>} : memref<52432xf32, #tpu.memory_space<vmem>>, vector<16xf32>,
          %swap3A_425 = arith.constant 52400 : index
          %swap3A_426 = tpu.vector_load %arg8[%swap3A_425] {strides = array<i32>} : memref<52432xf32, #tpu.memory_space<vmem>>, vector<16xf32>,
          tpu.vector_store %arg8[%swap3A_425], %convert_element_type3A {strides = array<i32>} : memref<52432xf32, #tpu.memory_space<vmem>>, vector<16xf32>,
          %swap3A_427 = arith.constant 52416 : index
          %swap3A_428 = tpu.vector_load %arg8[%swap3A_427] {strides = array<i32>} : memref<52432xf32, #tpu.memory_space<vmem>>, vector<16xf32>,
          tpu.vector_store %arg8[%swap3A_427], %convert_element_type3A {strides = array<i32>} : memref<52432xf32, #tpu.memory_space<vmem>>, vector<16xf32>,
        } else {
        }
      } else {
      }
      %dma_wait3A_279 = arith.constant 0 : i32
      %dma_wait3A_280 = tpu.memref_slice %arg2[%dma_wait3A_279] : memref<173952xi32, #tpu.memory_space<hbm>> -> memref<2080xi32, #tpu.memory_space<hbm>>
      %dma_wait3A_281 = arith.constant 0 : i32
      %dma_wait3A_282 = tpu.memref_slice %arg2[%dma_wait3A_281] : memref<173952xi32, #tpu.memory_space<hbm>> -> memref<2080xi32, #tpu.memory_space<hbm>>
      tpu.wait_dma2 semaphore(%arg17 : memref<!tpu.dma_semaphore, #tpu.memory_space<semaphore_mem>>) src(%dma_wait3A_282 : memref<2080xi32, #tpu.memory_space<hbm>>) dst(%arg10 : memref<2080xi32, #tpu.memory_space<vmem>>)
      %dma_wait3A_283 = arith.constant 0 : i32
      %dma_wait3A_284 = tpu.memref_slice %arg3[%dma_wait3A_283] : memref<173952xf32, #tpu.memory_space<hbm>> -> memref<2048xf32, #tpu.memory_space<hbm>>
      %dma_wait3A_285 = arith.constant 0 : i32
      %dma_wait3A_286 = tpu.memref_slice %arg3[%dma_wait3A_285] : memref<173952xf32, #tpu.memory_space<hbm>> -> memref<2048xf32, #tpu.memory_space<hbm>>
      tpu.wait_dma2 semaphore(%arg17 : memref<!tpu.dma_semaphore, #tpu.memory_space<semaphore_mem>>) src(%dma_wait3A_286 : memref<2048xf32, #tpu.memory_space<hbm>>) dst(%arg12 : memref<2048xf32, #tpu.memory_space<vmem>>)
      %sub3A_287 = arith.subi %squeeze3A_236, %and3A_238 : i32
      %add3A_288 = arith.constant 15 : i32
      %add3A_289 = arith.addi %sub3A_287, %add3A_288 : i32
      %jit3A_290 = arith.constant 16 : i32
      %div3A_291 = arith.divsi %add3A_289, %jit3A_290 : i32
      %sign3A_292 = arith.constant 0 : i32
      %sign3A_293 = arith.cmpi sgt, %add3A_289, %sign3A_292 : i32
      %sign3A_294 = arith.extui %sign3A_293 : i1 to i32
      %sign3A_295 = arith.constant 0 : i32
      %sign3A_296 = arith.cmpi slt, %add3A_289, %sign3A_295 : i32
      %sign3A_297 = arith.extui %sign3A_296 : i1 to i32
      %sign3A_298 = arith.subi %sign3A_294, %sign3A_297 : i32
      %sign3A_299 = arith.constant 0 : i32
      %sign3A_300 = arith.cmpi sgt, %jit3A_290, %sign3A_299 : i32
      %sign3A_301 = arith.extui %sign3A_300 : i1 to i32
      %sign3A_302 = arith.constant 0 : i32
      %sign3A_303 = arith.cmpi slt, %jit3A_290, %sign3A_302 : i32
      %sign3A_304 = arith.extui %sign3A_303 : i1 to i32
      %sign3A_305 = arith.subi %sign3A_301, %sign3A_304 : i32
      %ne3A_306 = arith.cmpi ne, %sign3A_298, %sign3A_305 : i32
      %rem3A_307 = arith.remsi %add3A_289, %jit3A_290 : i32
      %ne3A_308 = arith.constant 0 : i32
      %ne3A_309 = arith.cmpi ne, %rem3A_307, %ne3A_308 : i32
      %and3A_310 = arith.andi %ne3A_306, %ne3A_309 : i1
      %sub3A_311 = arith.constant 1 : i32
      %sub3A_312 = arith.subi %div3A_291, %sub3A_311 : i32
      %select_n3A_313 = arith.select %and3A_310, %sub3A_312, %div3A_291 : i32
      %min3A_314 = arith.constant 128 : i32
      %min3A_315 = arith.minsi %select_n3A_313, %min3A_314 : i32
      %while3A_316 = arith.constant 0 : i32
      %while3A_317 = arith.constant 0 : i32
      %while3A_318 = arith.subi %min3A_315, %while3A_316 : i32
      %while3A_319 = arith.addi %while3A_316, %while3A_318 : i32
      %while3A_320 = arith.constant 1 : i32
      %while3A_321 = arith.divsi %while3A_318, %while3A_320 : i32
      %while3A_322 = arith.muli %while3A_321, %while3A_320 : i32
      %while3A_323 = arith.addi %while3A_316, %while3A_322 : i32
      %while3A_324 = arith.constant 1 : i32
      %while3A_325 = scf.for %while3A_361 = %while3A_316 to %while3A_323 step %while3A_324 iter_args(%while3A_362 = %while3A_317) -> (i32)  : i32 {
        %mul3A_363 = arith.constant 16 : i32
        %mul3A_364 = arith.muli %while3A_361, %mul3A_363 : i32
        %get3A_365 = arith.index_cast %mul3A_364 : i32 to index
        %get3A_366 = tpu.vector_load %arg10[%get3A_365] {strides = array<i32>} : memref<2080xi32, #tpu.memory_space<vmem>>, vector<16xi32>,
        %add3A_367 = arith.constant 1 : i32
        %add3A_368 = arith.addi %mul3A_364, %add3A_367 : i32
        %get3A_369 = arith.index_cast %add3A_368 : i32 to index
        %get3A_370 = tpu.vector_load %arg10[%get3A_369] {strides = array<i32>} : memref<2080xi32, #tpu.memory_space<vmem>>, vector<16xi32>,
        %get3A_371 = arith.index_cast %mul3A_364 : i32 to index
        %get3A_372 = tpu.vector_load %arg12[%get3A_371] {strides = array<i32>} : memref<2048xf32, #tpu.memory_space<vmem>>, vector<16xf32>,
        %add3A_373 = arith.addi %and3A_238, %mul3A_364 : i32
        %add3A_374 = vector.broadcast %add3A_373 : i32 to vector<16xi32>
        %add3A_375 = arith.addi %add3A_374, %iota3A : vector<16xi32>
        %ne3A_376 = arith.cmpi ne, %get3A_366, %get3A_370 : vector<16xi32>
        %ge3A_377 = vector.broadcast %squeeze3A_234 : i32 to vector<16xi32>
        %ge3A_378 = arith.cmpi sge, %add3A_375, %ge3A_377 : vector<16xi32>
        %and3A_379 = arith.andi %ne3A_376, %ge3A_378 : vector<16xi1>
        %lt3A = vector.broadcast %squeeze3A_236 : i32 to vector<16xi32>
        %lt3A_380 = arith.cmpi slt, %add3A_375, %lt3A : vector<16xi32>
        %and3A_381 = arith.andi %and3A_379, %lt3A_380 : vector<16xi1>
        %sub3A_382 = arith.subi %get3A_366, %broadcast_in_dim3A_268 : vector<16xi32>
        %mul3A_383 = arith.constant 0 : i32
        %mul3A_384 = vector.broadcast %mul3A_383 : i32 to vector<16xi32>
        %mul3A_385 = arith.muli %iota3A, %mul3A_384 : vector<16xi32>
        %select_n3A_386 = arith.select %and3A_381, %sub3A_382, %mul3A_385 : vector<16xi1>, vector<16xi32>
        %select_n3A_387 = arith.select %and3A_381, %get3A_372, %broadcast_in_dim3A_273 : vector<16xi1>, vector<16xf32>
        tpu.vector_store_idx %arg8[%select_n3A_386], %select_n3A_387 : memref<52432xf32, #tpu.memory_space<vmem>>[vector<16xi32>], vector<16xf32>,
        %swap3A_388 = arith.index_cast %mul3A_364 : i32 to index
        %swap3A_389 = tpu.vector_load %arg14[%swap3A_388] {strides = array<i32>} : memref<2048xi32, #tpu.memory_space<vmem>>, vector<16xi32>,
        tpu.vector_store %arg14[%swap3A_388], %select_n3A_386 {strides = array<i32>} : memref<2048xi32, #tpu.memory_space<vmem>>, vector<16xi32>,
        %while3A_390 = arith.constant 0 : i32
        scf.yield %while3A_390 : i32
      }
      %while3A_326 = arith.constant 1 : i32
      %while3A_327 = scf.for %while3A_361 = %while3A_323 to %while3A_319 step %while3A_326 iter_args(%while3A_362 = %while3A_325) -> (i32)  : i32 {
        %mul3A_363 = arith.constant 16 : i32
        %mul3A_364 = arith.muli %while3A_361, %mul3A_363 : i32
        %get3A_365 = arith.index_cast %mul3A_364 : i32 to index
        %get3A_366 = tpu.vector_load %arg10[%get3A_365] {strides = array<i32>} : memref<2080xi32, #tpu.memory_space<vmem>>, vector<16xi32>,
        %add3A_367 = arith.constant 1 : i32
        %add3A_368 = arith.addi %mul3A_364, %add3A_367 : i32
        %get3A_369 = arith.index_cast %add3A_368 : i32 to index
        %get3A_370 = tpu.vector_load %arg10[%get3A_369] {strides = array<i32>} : memref<2080xi32, #tpu.memory_space<vmem>>, vector<16xi32>,
        %get3A_371 = arith.index_cast %mul3A_364 : i32 to index
        %get3A_372 = tpu.vector_load %arg12[%get3A_371] {strides = array<i32>} : memref<2048xf32, #tpu.memory_space<vmem>>, vector<16xf32>,
        %add3A_373 = arith.addi %and3A_238, %mul3A_364 : i32
        %add3A_374 = vector.broadcast %add3A_373 : i32 to vector<16xi32>
        %add3A_375 = arith.addi %add3A_374, %iota3A : vector<16xi32>
        %ne3A_376 = arith.cmpi ne, %get3A_366, %get3A_370 : vector<16xi32>
        %ge3A_377 = vector.broadcast %squeeze3A_234 : i32 to vector<16xi32>
        %ge3A_378 = arith.cmpi sge, %add3A_375, %ge3A_377 : vector<16xi32>
        %and3A_379 = arith.andi %ne3A_376, %ge3A_378 : vector<16xi1>
        %lt3A = vector.broadcast %squeeze3A_236 : i32 to vector<16xi32>
        %lt3A_380 = arith.cmpi slt, %add3A_375, %lt3A : vector<16xi32>
        %and3A_381 = arith.andi %and3A_379, %lt3A_380 : vector<16xi1>
        %sub3A_382 = arith.subi %get3A_366, %broadcast_in_dim3A_268 : vector<16xi32>
        %mul3A_383 = arith.constant 0 : i32
        %mul3A_384 = vector.broadcast %mul3A_383 : i32 to vector<16xi32>
        %mul3A_385 = arith.muli %iota3A, %mul3A_384 : vector<16xi32>
        %select_n3A_386 = arith.select %and3A_381, %sub3A_382, %mul3A_385 : vector<16xi1>, vector<16xi32>
        %select_n3A_387 = arith.select %and3A_381, %get3A_372, %broadcast_in_dim3A_273 : vector<16xi1>, vector<16xf32>
        tpu.vector_store_idx %arg8[%select_n3A_386], %select_n3A_387 : memref<52432xf32, #tpu.memory_space<vmem>>[vector<16xi32>], vector<16xf32>,
        %swap3A_388 = arith.index_cast %mul3A_364 : i32 to index
        %swap3A_389 = tpu.vector_load %arg14[%swap3A_388] {strides = array<i32>} : memref<2048xi32, #tpu.memory_space<vmem>>, vector<16xi32>,
        tpu.vector_store %arg14[%swap3A_388], %select_n3A_386 {strides = array<i32>} : memref<2048xi32, #tpu.memory_space<vmem>>, vector<16xi32>,
        %while3A_390 = arith.constant 0 : i32
        scf.yield %while3A_390 : i32
      }
      %gt3A_328 = arith.constant 1 : i32
      %gt3A_329 = arith.cmpi sgt, %select_n3A_265, %gt3A_328 : i32
      %convert_element_type3A_330 = arith.extui %gt3A_329 : i1 to i32
      %cond3A_331 = arith.constant 0 : i32
      %cond3A_332 = arith.cmpi ne, %convert_element_type3A_330, %cond3A_331 : i32
      scf.if %cond3A_332 {
        %while3A_361 = arith.constant 1 : i32
        %while3A_362 = arith.constant 0 : i32
        %while3A_363 = arith.subi %select_n3A_265, %while3A_361 : i32
        %while3A_364 = arith.addi %while3A_361, %while3A_363 : i32
        %while3A_365 = arith.constant 1 : i32
        %while3A_366 = arith.divsi %while3A_363, %while3A_365 : i32
        %while3A_367 = arith.muli %while3A_366, %while3A_365 : i32
        %while3A_368 = arith.addi %while3A_361, %while3A_367 : i32
        %while3A_369 = arith.constant 1 : i32
        %while3A_370 = scf.for %while3A_373 = %while3A_361 to %while3A_368 step %while3A_369 iter_args(%while3A_374 = %while3A_362) -> (i32)  : i32 {
          %mul3A_375 = arith.constant 2048 : i32
          %mul3A_376 = arith.muli %while3A_373, %mul3A_375 : i32
          %add3A_377 = arith.addi %and3A_238, %mul3A_376 : i32
          %multiple_of3A_378 = tpu.assume_multiple %add3A_377, 8 : i32
          "tpu.region"() ({
            %run_scoped3A = tpu.sem_alloc : memref<!tpu.dma_semaphore, #tpu.memory_space<semaphore_mem>>
            %dma_start3A_387 = tpu.memref_slice %arg2[%multiple_of3A_378] : memref<173952xi32, #tpu.memory_space<hbm>> -> memref<2080xi32, #tpu.memory_space<hbm>>
            %dma_start3A_388 = tpu.memref_slice %arg2[%multiple_of3A_378] : memref<173952xi32, #tpu.memory_space<hbm>> -> memref<2080xi32, #tpu.memory_space<hbm>>
            tpu.enqueue_dma source(%dma_start3A_388 : memref<2080xi32, #tpu.memory_space<hbm>>) target(%arg10 : memref<2080xi32, #tpu.memory_space<vmem>>) target_semaphore(%run_scoped3A : memref<!tpu.dma_semaphore, #tpu.memory_space<semaphore_mem>>)
            %dma_wait3A_389 = tpu.memref_slice %arg2[%multiple_of3A_378] : memref<173952xi32, #tpu.memory_space<hbm>> -> memref<2080xi32, #tpu.memory_space<hbm>>
            %dma_wait3A_390 = tpu.memref_slice %arg2[%multiple_of3A_378] : memref<173952xi32, #tpu.memory_space<hbm>> -> memref<2080xi32, #tpu.memory_space<hbm>>
            tpu.wait_dma2 semaphore(%run_scoped3A : memref<!tpu.dma_semaphore, #tpu.memory_space<semaphore_mem>>) src(%dma_wait3A_390 : memref<2080xi32, #tpu.memory_space<hbm>>) dst(%arg10 : memref<2080xi32, #tpu.memory_space<vmem>>)
            tpu.yield
          }) : () -> ()
          "tpu.region"() ({
            %run_scoped3A = tpu.sem_alloc : memref<!tpu.dma_semaphore, #tpu.memory_space<semaphore_mem>>
            %dma_start3A_387 = tpu.memref_slice %arg3[%multiple_of3A_378] : memref<173952xf32, #tpu.memory_space<hbm>> -> memref<2048xf32, #tpu.memory_space<hbm>>
            %dma_start3A_388 = tpu.memref_slice %arg3[%multiple_of3A_378] : memref<173952xf32, #tpu.memory_space<hbm>> -> memref<2048xf32, #tpu.memory_space<hbm>>
            tpu.enqueue_dma source(%dma_start3A_388 : memref<2048xf32, #tpu.memory_space<hbm>>) target(%arg12 : memref<2048xf32, #tpu.memory_space<vmem>>) target_semaphore(%run_scoped3A : memref<!tpu.dma_semaphore, #tpu.memory_space<semaphore_mem>>)
            %dma_wait3A_389 = tpu.memref_slice %arg3[%multiple_of3A_378] : memref<173952xf32, #tpu.memory_space<hbm>> -> memref<2048xf32, #tpu.memory_space<hbm>>
            %dma_wait3A_390 = tpu.memref_slice %arg3[%multiple_of3A_378] : memref<173952xf32, #tpu.memory_space<hbm>> -> memref<2048xf32, #tpu.memory_space<hbm>>
            tpu.wait_dma2 semaphore(%run_scoped3A : memref<!tpu.dma_semaphore, #tpu.memory_space<semaphore_mem>>) src(%dma_wait3A_390 : memref<2048xf32, #tpu.memory_space<hbm>>) dst(%arg12 : memref<2048xf32, #tpu.memory_space<vmem>>)
            tpu.yield
          }) : () -> ()
          %scan3A_379 = arith.constant 0 : i32
          %scan3A_380 = arith.constant 0 : i32
          %scan3A_381 = arith.constant 128 : i32
          %scan3A_382 = arith.addi %scan3A_380, %scan3A_381 : i32
          %scan3A_383 = arith.constant 1 : i32
          %scan3A_384 = scf.for %scan3A_387 = %scan3A_380 to %scan3A_382 step %scan3A_383 iter_args(%scan3A_388 = %scan3A_379) -> (i32)  : i32 {
            %mul3A_389 = arith.constant 16 : i32
            %mul3A_390 = arith.muli %scan3A_387, %mul3A_389 : i32
            %get3A_391 = arith.index_cast %mul3A_390 : i32 to index
            %get3A_392 = tpu.vector_load %arg10[%get3A_391] {strides = array<i32>} : memref<2080xi32, #tpu.memory_space<vmem>>, vector<16xi32>,
            %add3A_393 = arith.constant 1 : i32
            %add3A_394 = arith.addi %mul3A_390, %add3A_393 : i32
            %get3A_395 = arith.index_cast %add3A_394 : i32 to index
            %get3A_396 = tpu.vector_load %arg10[%get3A_395] {strides = array<i32>} : memref<2080xi32, #tpu.memory_space<vmem>>, vector<16xi32>,
            %get3A_397 = arith.index_cast %mul3A_390 : i32 to index
            %get3A_398 = tpu.vector_load %arg12[%get3A_397] {strides = array<i32>} : memref<2048xf32, #tpu.memory_space<vmem>>, vector<16xf32>,
            %add3A_399 = arith.addi %multiple_of3A_378, %mul3A_390 : i32
            %add3A_400 = vector.broadcast %add3A_399 : i32 to vector<16xi32>
            %add3A_401 = arith.addi %add3A_400, %iota3A : vector<16xi32>
            %ne3A_402 = arith.cmpi ne, %get3A_392, %get3A_396 : vector<16xi32>
            %ge3A_403 = vector.broadcast %squeeze3A_234 : i32 to vector<16xi32>
            %ge3A_404 = arith.cmpi sge, %add3A_401, %ge3A_403 : vector<16xi32>
            %and3A_405 = arith.andi %ne3A_402, %ge3A_404 : vector<16xi1>
            %lt3A = vector.broadcast %squeeze3A_236 : i32 to vector<16xi32>
            %lt3A_406 = arith.cmpi slt, %add3A_401, %lt3A : vector<16xi32>
            %and3A_407 = arith.andi %and3A_405, %lt3A_406 : vector<16xi1>
            %sub3A_408 = arith.subi %get3A_392, %broadcast_in_dim3A_268 : vector<16xi32>
            %mul3A_409 = arith.constant 0 : i32
            %mul3A_410 = vector.broadcast %mul3A_409 : i32 to vector<16xi32>
            %mul3A_411 = arith.muli %iota3A, %mul3A_410 : vector<16xi32>
            %select_n3A_412 = arith.select %and3A_407, %sub3A_408, %mul3A_411 : vector<16xi1>, vector<16xi32>
            %select_n3A_413 = arith.select %and3A_407, %get3A_398, %broadcast_in_dim3A_273 : vector<16xi1>, vector<16xf32>
            tpu.vector_store_idx %arg8[%select_n3A_412], %select_n3A_413 : memref<52432xf32, #tpu.memory_space<vmem>>[vector<16xi32>], vector<16xf32>,
            %scan3A_414 = arith.constant 0 : i32
            scf.yield %scan3A_414 : i32
          }
          %scan3A_385 = arith.constant 128 : i32
          %while3A_386 = arith.constant 0 : i32
          scf.yield %while3A_386 : i32
        }
        %while3A_371 = arith.constant 1 : i32
        %while3A_372 = scf.for %while3A_373 = %while3A_368 to %while3A_364 step %while3A_371 iter_args(%while3A_374 = %while3A_370) -> (i32)  : i32 {
          %mul3A_375 = arith.constant 2048 : i32
          %mul3A_376 = arith.muli %while3A_373, %mul3A_375 : i32
          %add3A_377 = arith.addi %and3A_238, %mul3A_376 : i32
          %multiple_of3A_378 = tpu.assume_multiple %add3A_377, 8 : i32
          "tpu.region"() ({
            %run_scoped3A = tpu.sem_alloc : memref<!tpu.dma_semaphore, #tpu.memory_space<semaphore_mem>>
            %dma_start3A_387 = tpu.memref_slice %arg2[%multiple_of3A_378] : memref<173952xi32, #tpu.memory_space<hbm>> -> memref<2080xi32, #tpu.memory_space<hbm>>
            %dma_start3A_388 = tpu.memref_slice %arg2[%multiple_of3A_378] : memref<173952xi32, #tpu.memory_space<hbm>> -> memref<2080xi32, #tpu.memory_space<hbm>>
            tpu.enqueue_dma source(%dma_start3A_388 : memref<2080xi32, #tpu.memory_space<hbm>>) target(%arg10 : memref<2080xi32, #tpu.memory_space<vmem>>) target_semaphore(%run_scoped3A : memref<!tpu.dma_semaphore, #tpu.memory_space<semaphore_mem>>)
            %dma_wait3A_389 = tpu.memref_slice %arg2[%multiple_of3A_378] : memref<173952xi32, #tpu.memory_space<hbm>> -> memref<2080xi32, #tpu.memory_space<hbm>>
            %dma_wait3A_390 = tpu.memref_slice %arg2[%multiple_of3A_378] : memref<173952xi32, #tpu.memory_space<hbm>> -> memref<2080xi32, #tpu.memory_space<hbm>>
            tpu.wait_dma2 semaphore(%run_scoped3A : memref<!tpu.dma_semaphore, #tpu.memory_space<semaphore_mem>>) src(%dma_wait3A_390 : memref<2080xi32, #tpu.memory_space<hbm>>) dst(%arg10 : memref<2080xi32, #tpu.memory_space<vmem>>)
            tpu.yield
          }) : () -> ()
          "tpu.region"() ({
            %run_scoped3A = tpu.sem_alloc : memref<!tpu.dma_semaphore, #tpu.memory_space<semaphore_mem>>
            %dma_start3A_387 = tpu.memref_slice %arg3[%multiple_of3A_378] : memref<173952xf32, #tpu.memory_space<hbm>> -> memref<2048xf32, #tpu.memory_space<hbm>>
            %dma_start3A_388 = tpu.memref_slice %arg3[%multiple_of3A_378] : memref<173952xf32, #tpu.memory_space<hbm>> -> memref<2048xf32, #tpu.memory_space<hbm>>
            tpu.enqueue_dma source(%dma_start3A_388 : memref<2048xf32, #tpu.memory_space<hbm>>) target(%arg12 : memref<2048xf32, #tpu.memory_space<vmem>>) target_semaphore(%run_scoped3A : memref<!tpu.dma_semaphore, #tpu.memory_space<semaphore_mem>>)
            %dma_wait3A_389 = tpu.memref_slice %arg3[%multiple_of3A_378] : memref<173952xf32, #tpu.memory_space<hbm>> -> memref<2048xf32, #tpu.memory_space<hbm>>
            %dma_wait3A_390 = tpu.memref_slice %arg3[%multiple_of3A_378] : memref<173952xf32, #tpu.memory_space<hbm>> -> memref<2048xf32, #tpu.memory_space<hbm>>
            tpu.wait_dma2 semaphore(%run_scoped3A : memref<!tpu.dma_semaphore, #tpu.memory_space<semaphore_mem>>) src(%dma_wait3A_390 : memref<2048xf32, #tpu.memory_space<hbm>>) dst(%arg12 : memref<2048xf32, #tpu.memory_space<vmem>>)
            tpu.yield
          }) : () -> ()
          %scan3A_379 = arith.constant 0 : i32
          %scan3A_380 = arith.constant 0 : i32
          %scan3A_381 = arith.constant 128 : i32
          %scan3A_382 = arith.addi %scan3A_380, %scan3A_381 : i32
          %scan3A_383 = arith.constant 1 : i32
          %scan3A_384 = scf.for %scan3A_387 = %scan3A_380 to %scan3A_382 step %scan3A_383 iter_args(%scan3A_388 = %scan3A_379) -> (i32)  : i32 {
            %mul3A_389 = arith.constant 16 : i32
            %mul3A_390 = arith.muli %scan3A_387, %mul3A_389 : i32
            %get3A_391 = arith.index_cast %mul3A_390 : i32 to index
            %get3A_392 = tpu.vector_load %arg10[%get3A_391] {strides = array<i32>} : memref<2080xi32, #tpu.memory_space<vmem>>, vector<16xi32>,
            %add3A_393 = arith.constant 1 : i32
            %add3A_394 = arith.addi %mul3A_390, %add3A_393 : i32
            %get3A_395 = arith.index_cast %add3A_394 : i32 to index
            %get3A_396 = tpu.vector_load %arg10[%get3A_395] {strides = array<i32>} : memref<2080xi32, #tpu.memory_space<vmem>>, vector<16xi32>,
            %get3A_397 = arith.index_cast %mul3A_390 : i32 to index
            %get3A_398 = tpu.vector_load %arg12[%get3A_397] {strides = array<i32>} : memref<2048xf32, #tpu.memory_space<vmem>>, vector<16xf32>,
            %add3A_399 = arith.addi %multiple_of3A_378, %mul3A_390 : i32
            %add3A_400 = vector.broadcast %add3A_399 : i32 to vector<16xi32>
            %add3A_401 = arith.addi %add3A_400, %iota3A : vector<16xi32>
            %ne3A_402 = arith.cmpi ne, %get3A_392, %get3A_396 : vector<16xi32>
            %ge3A_403 = vector.broadcast %squeeze3A_234 : i32 to vector<16xi32>
            %ge3A_404 = arith.cmpi sge, %add3A_401, %ge3A_403 : vector<16xi32>
            %and3A_405 = arith.andi %ne3A_402, %ge3A_404 : vector<16xi1>
            %lt3A = vector.broadcast %squeeze3A_236 : i32 to vector<16xi32>
            %lt3A_406 = arith.cmpi slt, %add3A_401, %lt3A : vector<16xi32>
            %and3A_407 = arith.andi %and3A_405, %lt3A_406 : vector<16xi1>
            %sub3A_408 = arith.subi %get3A_392, %broadcast_in_dim3A_268 : vector<16xi32>
            %mul3A_409 = arith.constant 0 : i32
            %mul3A_410 = vector.broadcast %mul3A_409 : i32 to vector<16xi32>
            %mul3A_411 = arith.muli %iota3A, %mul3A_410 : vector<16xi32>
            %select_n3A_412 = arith.select %and3A_407, %sub3A_408, %mul3A_411 : vector<16xi1>, vector<16xi32>
            %select_n3A_413 = arith.select %and3A_407, %get3A_398, %broadcast_in_dim3A_273 : vector<16xi1>, vector<16xf32>
            tpu.vector_store_idx %arg8[%select_n3A_412], %select_n3A_413 : memref<52432xf32, #tpu.memory_space<vmem>>[vector<16xi32>], vector<16xf32>,
            %scan3A_414 = arith.constant 0 : i32
            scf.yield %scan3A_414 : i32
          }
          %scan3A_385 = arith.constant 128 : i32
          %while3A_386 = arith.constant 0 : i32
          scf.yield %while3A_386 : i32
        }
      } else {
      }
      %add3A_333 = arith.constant 2 : i32
      %add3A_334 = arith.addi %add3A_228, %add3A_333 : i32
      %add3A_335 = arith.addi %mul3A_2, %add3A_334 : i32
      %get3A_336 = arith.index_cast %add3A_335 : i32 to index
      %get3A_337 = tpu.vector_load %arg15[%get3A_336] {strides = array<i32>} : memref<352xi32, #tpu.memory_space<vmem>>, vector<16xi32>,
      %slice3A_338 = vector.extract_strided_slice %get3A_337 {offsets = [0], sizes = [1], strides = [1]} : vector<16xi32> to vector<1xi32>
      %squeeze3A_339 = vector.extract %slice3A_338[0] : i32 from vector<1xi32>
      %slice3A_340 = vector.extract_strided_slice %get3A_337 {offsets = [1], sizes = [1], strides = [1]} : vector<16xi32> to vector<1xi32>
      %squeeze3A_341 = vector.extract %slice3A_340[0] : i32 from vector<1xi32>
      %and3A_342 = arith.constant -8 : i32
      %and3A_343 = arith.andi %squeeze3A_339, %and3A_342 : i32
      %multiple_of3A_344 = tpu.assume_multiple %and3A_343, 8 : i32
      %dma_start3A_345 = tpu.memref_slice %arg2[%multiple_of3A_344] : memref<173952xi32, #tpu.memory_space<hbm>> -> memref<2080xi32, #tpu.memory_space<hbm>>
      %dma_start3A_346 = tpu.memref_slice %arg2[%multiple_of3A_344] : memref<173952xi32, #tpu.memory_space<hbm>> -> memref<2080xi32, #tpu.memory_space<hbm>>
      tpu.enqueue_dma source(%dma_start3A_346 : memref<2080xi32, #tpu.memory_space<hbm>>) target(%arg10 : memref<2080xi32, #tpu.memory_space<vmem>>) target_semaphore(%arg17 : memref<!tpu.dma_semaphore, #tpu.memory_space<semaphore_mem>>)
      %dma_start3A_347 = tpu.memref_slice %arg3[%multiple_of3A_344] : memref<173952xf32, #tpu.memory_space<hbm>> -> memref<2048xf32, #tpu.memory_space<hbm>>
      %dma_start3A_348 = tpu.memref_slice %arg3[%multiple_of3A_344] : memref<173952xf32, #tpu.memory_space<hbm>> -> memref<2048xf32, #tpu.memory_space<hbm>>
      tpu.enqueue_dma source(%dma_start3A_348 : memref<2048xf32, #tpu.memory_space<hbm>>) target(%arg12 : memref<2048xf32, #tpu.memory_space<vmem>>) target_semaphore(%arg17 : memref<!tpu.dma_semaphore, #tpu.memory_space<semaphore_mem>>)
      %multiple_of3A_349 = tpu.assume_multiple %mul3A_267, 8 : i32
      %eq3A_350 = arith.constant 319 : i32
      %eq3A_351 = arith.cmpi eq, %add3A_229, %eq3A_350 : i32
      %convert_element_type3A_352 = arith.extui %eq3A_351 : i1 to i32
      %cond3A_353 = arith.constant 0 : i32
      %cond3A_354 = arith.cmpi ne, %convert_element_type3A_352, %cond3A_353 : i32
      scf.if %cond3A_354 {
        %dma_start3A_361 = arith.constant 0 : i32
        %dma_start3A_362 = tpu.memref_slice %arg8[%dma_start3A_361] : memref<52432xf32, #tpu.memory_space<vmem>> -> memref<51408xf32, #tpu.memory_space<vmem>>
        %dma_start3A_363 = tpu.memref_slice %arg6[%multiple_of3A_349] : memref<16777216xf32, #tpu.memory_space<hbm>> -> memref<51408xf32, #tpu.memory_space<hbm>>
        %dma_start3A_364 = tpu.memref_slice %arg6[%multiple_of3A_349] : memref<16777216xf32, #tpu.memory_space<hbm>> -> memref<51408xf32, #tpu.memory_space<hbm>>
        %dma_start3A_365 = arith.constant 0 : i32
        %dma_start3A_366 = tpu.memref_slice %arg8[%dma_start3A_365] : memref<52432xf32, #tpu.memory_space<vmem>> -> memref<51408xf32, #tpu.memory_space<vmem>>
        tpu.enqueue_dma source(%dma_start3A_366 : memref<51408xf32, #tpu.memory_space<vmem>>) target(%dma_start3A_364 : memref<51408xf32, #tpu.memory_space<hbm>>) target_semaphore(%arg18 : memref<!tpu.dma_semaphore, #tpu.memory_space<semaphore_mem>>)
      } else {
      }
      %ne3A_355 = arith.constant 319 : i32
      %ne3A_356 = arith.cmpi ne, %add3A_229, %ne3A_355 : i32
      %convert_element_type3A_357 = arith.extui %ne3A_356 : i1 to i32
      %cond3A_358 = arith.constant 0 : i32
      %cond3A_359 = arith.cmpi ne, %convert_element_type3A_357, %cond3A_358 : i32
      scf.if %cond3A_359 {
        %dma_start3A_361 = tpu.memref_slice %arg6[%multiple_of3A_349] : memref<16777216xf32, #tpu.memory_space<hbm>> -> memref<52432xf32, #tpu.memory_space<hbm>>
        %dma_start3A_362 = tpu.memref_slice %arg6[%multiple_of3A_349] : memref<16777216xf32, #tpu.memory_space<hbm>> -> memref<52432xf32, #tpu.memory_space<hbm>>
        tpu.enqueue_dma source(%arg8 : memref<52432xf32, #tpu.memory_space<vmem>>) target(%dma_start3A_362 : memref<52432xf32, #tpu.memory_space<hbm>>) target_semaphore(%arg18 : memref<!tpu.dma_semaphore, #tpu.memory_space<semaphore_mem>>)
      } else {
      }
      %scan3A_360 = arith.constant 0 : i32
      scf.yield %scan3A_360 : i32
    }
    %scan3A_68 = arith.constant 5 : i32
    %dma_wait3A = arith.constant 0 : i32
    %dma_wait3A_69 = tpu.memref_slice %arg2[%dma_wait3A] : memref<173952xi32, #tpu.memory_space<hbm>> -> memref<2080xi32, #tpu.memory_space<hbm>>
    %dma_wait3A_70 = arith.constant 0 : i32
    %dma_wait3A_71 = tpu.memref_slice %arg2[%dma_wait3A_70] : memref<173952xi32, #tpu.memory_space<hbm>> -> memref<2080xi32, #tpu.memory_space<hbm>>
    tpu.wait_dma2 semaphore(%arg17 : memref<!tpu.dma_semaphore, #tpu.memory_space<semaphore_mem>>) src(%dma_wait3A_71 : memref<2080xi32, #tpu.memory_space<hbm>>) dst(%arg9 : memref<2080xi32, #tpu.memory_space<vmem>>)
    %dma_wait3A_72 = arith.constant 0 : i32
    %dma_wait3A_73 = tpu.memref_slice %arg3[%dma_wait3A_72] : memref<173952xf32, #tpu.memory_space<hbm>> -> memref<2048xf32, #tpu.memory_space<hbm>>
    %dma_wait3A_74 = arith.constant 0 : i32
    %dma_wait3A_75 = tpu.memref_slice %arg3[%dma_wait3A_74] : memref<173952xf32, #tpu.memory_space<hbm>> -> memref<2048xf32, #tpu.memory_space<hbm>>
    tpu.wait_dma2 semaphore(%arg17 : memref<!tpu.dma_semaphore, #tpu.memory_space<semaphore_mem>>) src(%dma_wait3A_75 : memref<2048xf32, #tpu.memory_space<hbm>>) dst(%arg11 : memref<2048xf32, #tpu.memory_space<vmem>>)
    %dma_wait3A_76 = arith.constant 0 : i32
    %dma_wait3A_77 = tpu.memref_slice %arg2[%dma_wait3A_76] : memref<173952xi32, #tpu.memory_space<hbm>> -> memref<2080xi32, #tpu.memory_space<hbm>>
    %dma_wait3A_78 = arith.constant 0 : i32
    %dma_wait3A_79 = tpu.memref_slice %arg2[%dma_wait3A_78] : memref<173952xi32, #tpu.memory_space<hbm>> -> memref<2080xi32, #tpu.memory_space<hbm>>
    tpu.wait_dma2 semaphore(%arg17 : memref<!tpu.dma_semaphore, #tpu.memory_space<semaphore_mem>>) src(%dma_wait3A_79 : memref<2080xi32, #tpu.memory_space<hbm>>) dst(%arg10 : memref<2080xi32, #tpu.memory_space<vmem>>)
    %dma_wait3A_80 = arith.constant 0 : i32
    %dma_wait3A_81 = tpu.memref_slice %arg3[%dma_wait3A_80] : memref<173952xf32, #tpu.memory_space<hbm>> -> memref<2048xf32, #tpu.memory_space<hbm>>
    %dma_wait3A_82 = arith.constant 0 : i32
    %dma_wait3A_83 = tpu.memref_slice %arg3[%dma_wait3A_82] : memref<173952xf32, #tpu.memory_space<hbm>> -> memref<2048xf32, #tpu.memory_space<hbm>>
    tpu.wait_dma2 semaphore(%arg17 : memref<!tpu.dma_semaphore, #tpu.memory_space<semaphore_mem>>) src(%dma_wait3A_83 : memref<2048xf32, #tpu.memory_space<hbm>>) dst(%arg12 : memref<2048xf32, #tpu.memory_space<vmem>>)
    %dma_wait3A_84 = arith.constant 0 : i32
    %dma_wait3A_85 = tpu.memref_slice %arg6[%dma_wait3A_84] : memref<16777216xf32, #tpu.memory_space<hbm>> -> memref<52432xf32, #tpu.memory_space<hbm>>
    %dma_wait3A_86 = arith.constant 0 : i32
    %dma_wait3A_87 = tpu.memref_slice %arg6[%dma_wait3A_86] : memref<16777216xf32, #tpu.memory_space<hbm>> -> memref<52432xf32, #tpu.memory_space<hbm>>
    tpu.wait_dma2 semaphore(%arg18 : memref<!tpu.dma_semaphore, #tpu.memory_space<semaphore_mem>>) src(%arg7 : memref<52432xf32, #tpu.memory_space<vmem>>) dst(%dma_wait3A_87 : memref<52432xf32, #tpu.memory_space<hbm>>)
    %add3A_88 = arith.constant 9 : i32
    %add3A_89 = arith.addi %mul3A_2, %add3A_88 : i32
    %eq3A = arith.constant 319 : i32
    %eq3A_90 = arith.cmpi eq, %add3A_89, %eq3A : i32
    %convert_element_type3A_91 = arith.extui %eq3A_90 : i1 to i32
    %cond3A = arith.constant 0 : i32
    %cond3A_92 = arith.cmpi ne, %convert_element_type3A_91, %cond3A : i32
    scf.if %cond3A_92 {
      %dma_wait3A_99 = arith.constant 0 : i32
      %dma_wait3A_100 = tpu.memref_slice %arg8[%dma_wait3A_99] : memref<52432xf32, #tpu.memory_space<vmem>> -> memref<51408xf32, #tpu.memory_space<vmem>>
      %dma_wait3A_101 = arith.constant 0 : i32
      %dma_wait3A_102 = tpu.memref_slice %arg6[%dma_wait3A_101] : memref<16777216xf32, #tpu.memory_space<hbm>> -> memref<51408xf32, #tpu.memory_space<hbm>>
      %dma_wait3A_103 = arith.constant 0 : i32
      %dma_wait3A_104 = tpu.memref_slice %arg6[%dma_wait3A_103] : memref<16777216xf32, #tpu.memory_space<hbm>> -> memref<51408xf32, #tpu.memory_space<hbm>>
      %dma_wait3A_105 = arith.constant 0 : i32
      %dma_wait3A_106 = tpu.memref_slice %arg8[%dma_wait3A_105] : memref<52432xf32, #tpu.memory_space<vmem>> -> memref<51408xf32, #tpu.memory_space<vmem>>
      tpu.wait_dma2 semaphore(%arg18 : memref<!tpu.dma_semaphore, #tpu.memory_space<semaphore_mem>>) src(%dma_wait3A_106 : memref<51408xf32, #tpu.memory_space<vmem>>) dst(%dma_wait3A_104 : memref<51408xf32, #tpu.memory_space<hbm>>)
    } else {
    }
    %add3A_93 = arith.constant 9 : i32
    %add3A_94 = arith.addi %mul3A_2, %add3A_93 : i32
    %ne3A = arith.constant 319 : i32
    %ne3A_95 = arith.cmpi ne, %add3A_94, %ne3A : i32
    %convert_element_type3A_96 = arith.extui %ne3A_95 : i1 to i32
    %cond3A_97 = arith.constant 0 : i32
    %cond3A_98 = arith.cmpi ne, %convert_element_type3A_96, %cond3A_97 : i32
    scf.if %cond3A_98 {
      %dma_wait3A_99 = arith.constant 0 : i32
      %dma_wait3A_100 = tpu.memref_slice %arg6[%dma_wait3A_99] : memref<16777216xf32, #tpu.memory_space<hbm>> -> memref<52432xf32, #tpu.memory_space<hbm>>
      %dma_wait3A_101 = arith.constant 0 : i32
      %dma_wait3A_102 = tpu.memref_slice %arg6[%dma_wait3A_101] : memref<16777216xf32, #tpu.memory_space<hbm>> -> memref<52432xf32, #tpu.memory_space<hbm>>
      tpu.wait_dma2 semaphore(%arg18 : memref<!tpu.dma_semaphore, #tpu.memory_space<semaphore_mem>>) src(%arg8 : memref<52432xf32, #tpu.memory_space<vmem>>) dst(%dma_wait3A_102 : memref<52432xf32, #tpu.memory_space<hbm>>)
    } else {
    }
    return
  }
}

</mosaic_0001>

<sc_bundles>
// kernel: _sc_scatter.3.cloned.1.call-start
scs
__scs_entry_jumppad:
0x0: {  	(pc) =	sbr.rel $0x88, $3  }
0x1: {  	(tag) =	ssettag $0x0;
	lr =	simm.s32 $0x1  }
0x2: {  	[smem:$0x3F9D] =	sst lr;
	_ =	strace $0xD0000000  }
0x3: {  	_ = 	snop  }
0x4: {  	_ = 	snop  }
0x5: {  	_ = 	snop  }
0x6: {  	_ = 	snop  }
0x7: {  	_ = 	snop  }
__scs_overlays_trampoline_lowered:
0x8: {  	[smem:$0x3FAC] =	sst s0  }
0x9: {  	[smem:$0x3FAD] =	sst s1  }
0xa: {  	[smem:$0x3FAE] =	sst s2  }
0xb: {  	[smem:$0x3FAF] =	sst s3  }
0xc: {  	[smem:$0x3FB0] =	sst s4  }
0xd: {  	[smem:$0x3FB1] =	sst s5  }
0xe: {  	[smem:$0x3FB2] =	sst s6  }
0xf: {  	[smem:$0x3FB3] =	sst s7  }
0x10: {  	[smem:$0x3FB4] =	sst s8  }
0x11: {  	[smem:$0x3FB5] =	sst s9;
	s0 =	simm.s32 @!p0 $0x0  }
0x12: {  	s1 =	sld [smem:$0x3F9B];
	s0 =	simm.s32 @p0 $0x1  }
0x13: {  	[smem:$0x3FB6] =	sst s0;
	s0 =	simm.s32 @!p1 $0x0  }
0x14: {  	s2 =	sld [smem:$0x3F9A];
	s0 =	simm.s32 @p1 $0x1  }
0x15: {  	[smem:$0x3FB7] =	sst s0;
	s0 =	simm.s32 @!p2 $0x0  }
0x16: {  	s3 =	sld [smem:$0x3FDB];
	s0 =	simm.s32 @p2 $0x1  }
0x17: {  	s4 =	simm.s32 $0x1BF5;
	[smem:$0x3FB9] =	sst s0  }
0x18: {  	s0 =	sld [smem:$0x3F9C];
	_ =	swait.ge [sflag:s4], $0x0  }
0x19: {  	s7 =	sld [smem:$0x3F9D]  }
0x1a: {  	s8 =	sadd.s32 $0xFFFFE003, lr  }
0x1b: {  	s9 =	sadd.s32 $0xFFFFFEF7, lr;
	s5 =	simm.s32 $0xFFFFFFFF;
	p2 =	slt.u32 s8, $0xFFFFF086  }
0x1c: {  	p1 =	slt.u32 s9, $0xF7A;
	s5 =	simm.s32 @!p2 $0x0  }
0x1d: {  	s5 =	simm.s32 @p1 $0x1;
	p0 =	seq.s32 s7, s2  }
0x1e: {  	s7 =	smul.u32 @!p0 $0xF7A, s2;
	p2 =	seq.s32 @!p0 s5, $0x0  }
0x1f: {  	s9 =	smul.u32 $0xF7A, s1;
	s8 =	simm.s32 @!p0 $0x1BF5;
	p2 =	por !p2, p0  }
0x20: {  	[sflag:s8] =	ssyncset.s32 @!p0 $0xFFFFF086;
	s6 =	sadd.s32 @!p0 s3, s7;
	s7 =	simm.s32 @!p0 $0x108  }
0x21: {  	s3 =	sadd.s32 s3, s9;
	s6 =	sadd.s32 @!p0 $0x88, s6;
	s7 =	simm.s32 @p2 $0x1082  }
0x22: {  	[simem:s7], [sflag:s8] =	dma.local @!p0 [hbm:s6], $0xF7A  }
0x23: {  	s9 =	sor.u32 $0xD0000000, s2;
	s6 =	simm.s32 $0x108;
	_ =	swait.ge @!p0 [sflag:s8], $0x0  }
0x24: {  	s3 =	sadd.s32 $0x88, s3;
	s6 =	simm.s32 @!p1 $0x1082;
	[sflag:s4] =	ssyncset.s32 $0xFFFFF086  }
0x25: {  	[simem:s6], [sflag:s4] =	dma.local [hbm:s3], $0xF7A  }
0x26: {  	[smem:$0x3F9D] =	sst s1;
	(tag) =	ssettag s2;
	_ =	strace s9  }
0x27: {  	s1 =	sld [smem:$0x3FAD]  }
0x28: {  	s2 =	sld [smem:$0x3FAE]  }
0x29: {  	s4 =	sld [smem:$0x3FB0]  }
0x2a: {  	p0 =	seq.s32 s5, $0x0;
	s5 =	sld [smem:$0x3FB1]  }
0x2b: {  	s6 =	sld [smem:$0x3FB2]  }
0x2c: {  	s7 =	sld [smem:$0x3FB3]  }
0x2d: {  	s3 =	simm.s32 $0x108;
	s8 =	sld [smem:$0x3FB4]  }
0x2e: {  	s3 =	simm.s32 @!p0 $0x1082;
	s9 =	sld [smem:$0x3FB5]  }
0x2f: {  	lr =	sadd.s32 s0, s3;
	s0 =	sld [smem:$0x3FAC]  }
0x30: {  	s3 =	sld [smem:$0x3FAF]  }
0x31: {  	[smem:$0x3FB8] =	sst s10  }
0x32: {  	s10 =	sld [smem:$0x3FB6];
	_ =	sdelay $0x3  }
0x33: {  	p0 =	seq.s32 s10, $0x1;
	s10 =	sld [smem:$0x3FB8];
	_ =	sdelay $0x3  }
0x34: {  	[smem:$0x3FB8] =	sst s10  }
0x35: {  	s10 =	sld [smem:$0x3FB7];
	_ =	sdelay $0x3  }
0x36: {  	p1 =	seq.s32 s10, $0x1;
	s10 =	sld [smem:$0x3FB8];
	_ =	sdelay $0x3  }
0x37: {  	[smem:$0x3FB8] =	sst s10  }
0x38: {  	s10 =	sld [smem:$0x3FB9]  }
0x39: {  	_ = 	snop;
	(pc) =	sbr.ind lr, $3  }
0x3a: {  	_ = 	snop  }
0x3b: {  	_ = 	snop  }
0x3c: {  	p2 =	seq.s32 s10, $0x1;
	s10 =	sld [smem:$0x3FB8]  }
0x3d: {  	_ =	shalt  }
0x3e: {  	_ =	shalt  }
0x3f: {  	_ =	shalt  }
0x40: {  	_ =	shalt  }
0x41: {  	_ =	shalt  }
0x42: {  	_ =	shalt  }
0x43: {  	_ =	shalt  }
0x44: {  	_ =	shalt  }
0x45: {  	_ =	shalt  }
0x46: {  	_ =	shalt  }
0x47: {  	_ =	shalt  }
0x48: {  	_ =	shalt  }
0x49: {  	_ =	shalt  }
0x4a: {  	_ =	shalt  }
0x4b: {  	_ =	shalt  }
0x4c: {  	_ =	shalt  }
0x4d: {  	_ =	shalt  }
0x4e: {  	_ =	shalt  }
0x4f: {  	_ =	shalt  }
0x50: {  	_ =	shalt  }
0x51: {  	_ =	shalt  }
0x52: {  	_ =	shalt  }
0x53: {  	_ =	shalt  }
0x54: {  	_ =	shalt  }
0x55: {  	_ =	shalt  }
0x56: {  	_ =	shalt  }
0x57: {  	_ =	shalt  }
0x58: {  	_ =	shalt  }
0x59: {  	_ =	shalt  }
0x5a: {  	_ =	shalt  }
0x5b: {  	_ =	shalt  }
0x5c: {  	_ =	shalt  }
0x5d: {  	_ =	shalt  }
0x5e: {  	_ =	shalt  }
0x5f: {  	_ =	shalt  }
0x60: {  	_ =	shalt  }
0x61: {  	_ =	shalt  }
0x62: {  	_ =	shalt  }
0x63: {  	_ =	shalt  }
0x64: {  	_ =	shalt  }
0x65: {  	_ =	shalt  }
0x66: {  	_ =	shalt  }
0x67: {  	_ =	shalt  }
0x68: {  	_ =	shalt  }
0x69: {  	_ =	shalt  }
0x6a: {  	_ =	shalt  }
0x6b: {  	_ =	shalt  }
0x6c: {  	_ =	shalt  }
0x6d: {  	_ =	shalt  }
0x6e: {  	_ =	shalt  }
0x6f: {  	_ =	shalt  }
0x70: {  	_ =	shalt  }
0x71: {  	_ =	shalt  }
0x72: {  	_ =	shalt  }
0x73: {  	_ =	shalt  }
0x74: {  	_ =	shalt  }
0x75: {  	_ =	shalt  }
0x76: {  	_ =	shalt  }
0x77: {  	_ =	shalt  }
0x78: {  	_ =	shalt  }
0x79: {  	_ =	shalt  }
0x7a: {  	_ =	shalt  }
0x7b: {  	_ =	shalt  }
0x7c: {  	_ =	shalt  }
0x7d: {  	_ =	shalt  }
0x7e: {  	_ =	shalt  }
0x7f: {  	_ =	shalt  }
0x80: {  	_ =	shalt  }
0x81: {  	_ =	shalt  }
0x82: {  	_ =	shalt  }
0x83: {  	_ =	shalt  }
0x84: {  	_ =	shalt  }
0x85: {  	_ =	shalt  }
0x86: {  	_ =	shalt  }
0x87: {  	_ =	shalt  }
.Lfunc_end0:
.L_simem_size_0:
called_computation_lowered:
.L_overlay_start_0:
0x88: {  	s2 =	sld [smem:$0x3FD9]  }
0x89: {  	s3 =	sld [smem:$0x3FFE];
	_ =	sdelay $0x1  }
0x8a: {  	s1 =	srdreg.scid  }
0x8b: {  	s0 =	sand.u32 $0x1, s1  }
0x8c: {  	s18 =	sshll.u32 s0, $0xA;
	s2 =	sadd.s32 s3, s2  }
0x8d: {  	s2 =	sadd.s32 s2, s18  }
0x8e: {  	[smem:$0x3FC4] =	sst s2  }
0x8f: {  	_ = 	snop  }
0x90: {  	s2 =	sld [smem:$0x3FC9]  }
0x91: {  	s19 =	sld [smem:$0x3FC8]  }
0x92: {  	s4 =	sld [smem:$0x3FC7]  }
0x93: {  	s5 =	sld [smem:$0x3FC6]  }
0x94: {  	s6 =	sld [smem:$0x3FD0];
	(tm) =	ssettm $0x1  }
0x95: {  	s7 =	sld [smem:$0x3FFB];
	_ =	sdelay $0x3  }
0x96: {  	_ =	strace s7  }
0x97: {  	s7 =	sld [smem:$0x3FFC];
	_ =	sdelay $0x3  }
0x98: {  	_ =	strace s7  }
0x99: {  	s7 =	sld [smem:$0x3FFD];
	_ =	sdelay $0x3  }
0x9a: {  	_ =	strace s7  }
0x9b: {  	_ =	strace $0x8FFFFFFF  }
0x9c: {  	s20 =	sld [smem:$0x3FDB];
	_ =	sdelay $0x1  }
0x9d: {  	s8 =	simm.s32 $_scs_section_size  }
0x9e: {  	s9 =	simm.s32 $_size__tile_overlayer_lowered;
	s10 =	simm.s32 $_tile_overlayer_lowered  }
0x9f: {  	s23 =	simm.s32 $0x1BFF;
	s22 =	sshll.u32 s10, $0x1;
	s7 =	sadd.s32 s8, s20  }
0xa0: {  	s11 =	simm.s32 $0x0;
	s21 =	sshll.u32 s9, $0x1;
	s9 =	sadd.s32 s22, s7  }
0xa1: {  	[timem:s11], [sflag:s23] =	dma.local [hbm:s9], s21  }
0xa2: {  	_ =	swait.ge [sflag:s23], s21  }
0xa3: {  	s8 =	ssub.s32 $0x0, s21;
	[sflag:s23] =	ssyncset.done $0x0  }
0xa4: {  	[sflag:s23] =	ssyncadd.s32 s8;
	_ =	sdelay $0x1  }
0xa5: {  	s24 =	simm.s32 $0x1B8B  }
0xa6: {  	_ =	swait.ge [sflag:s24], $0x1  }
0xa7: {  	[sflag:s24] =	ssyncset.done $0x0  }
0xa8: {  	s25 =	simm.s32 $0x1B8E;
	[sflag:s24] =	ssyncadd.s32 $0xFFFFFFFF  }
0xa9: {  	s26 =	simm.s32 $execute0_lowered;
	[smem:$0x3FD2] =	sst s25  }
0xaa: {  	s8 =	sshll.u32 s26, $0x1;
	_ =	strace $0x80000046;
	[dreg:$0x1] =	wrdreg $0xFFFFFFFF  }
0xab: {  	s28 =	simm.s32 $_size_execute0_lowered;
	s7 =	sadd.s32 s7, s8;
	[dreg:$0x0] =	wrdreg $0x0  }
0xac: {  	s8 =	sshll.u32 s28, $0x1;
	[dreg:$0x2] =	wrdreg s7  }
0xad: {  	[dreg:$0x3] =	wrdreg s8  }
0xae: {  	[dreg:$0x4] =	wrdreg $0xC0  }
0xaf: {  	_ =	task [dreg:s11], $0x5FFFF  }
0xb0: {  	[dreg:$0x1] =	wrdreg $0xFFFFFFFF  }
0xb1: {  	[dreg:$0x0] =	wrdreg $0x60  }
0xb2: {  	[dreg:$0x2] =	wrdreg s2  }
0xb3: {  	[dreg:$0x3] =	wrdreg s19  }
0xb4: {  	[dreg:$0x4] =	wrdreg s4  }
0xb5: {  	[dreg:$0x5] =	wrdreg s5  }
0xb6: {  	[dreg:$0x6] =	wrdreg s6  }
0xb7: {  	[dreg:$0x7] =	wrdreg $0x9  }
0xb8: {  	_ =	task.clear_ibuf [dreg:s11], $0x8FFFF;
	_ =	strace $0x90000046  }
0xb9: {  	s29 =	simm.s32 $0x9;
	_ =	strace $0x80000048  }
0xba: {  	_ =	swait.ge [sflag:s29], $0x1  }
0xbb: {  	[sflag:s29] =	ssyncadd.s32 $0xFFFFFFFF  }
0xbc: {  	_ =	strace $0x90000048  }
0xbd: {  	_ =	sfence  }
0xbe: {  	s30 =	sld [smem:$0x0];
	_ =	sdelay $0x2  }
0xbf: {  	s31 =	sshll.u32 s1, $0xD;
	s1 =	sshrl.u32 s1, $0x2  }
0xc0: {  	s3 =	sand.u32 $0x4000, s31;
	s1 =	sadd.s32 s1, s30  }
0xc1: {  	s0 =	sor.u32 s3, s0;
	s1 =	sshll.u32 s1, $0x11  }
0xc2: {  	s0 =	sor.u32 s1, s0  }
0xc3: {  	s0 =	sadd.s32 $0x8F2B, s0  }
0xc4: {  	[sflag:s0] =	ssyncadd.remote.s32 $0x1  }
0xc5: {  	_ =	sfence.sel $0xFFFF  }
0xc6: {  	[dreg:$0x0] =	wrdreg $0xFFFFFFFF;
	(pc) =	sbr.abs _section_cstart, $3  }
0xc7: {  	[dreg:$0x1] =	wrdreg $0xFFFFFFFF  }
0xc8: {  	_ =	task.clear_ibuf [dreg:s11], $0x2FFFF;
	_ =	strace $0x9FFFFFFF  }
0xc9: {  	(tm) =	ssettm $0x7FFFFFFF  }
tec
execute0_lowered:
.L_overlay_start_1:
0x0: {  	(tag) =	ssettag $0x1  }
0x1: {  	s0 =	rddreg [dreg:$0x0]  }
0x2: {  	s2 =	rddreg [dreg:$0x1]  }
0x3: {  	s6 =	rddreg [dreg:$0x4]  }
0x4: {  	s1 =	srdreg.scid;
	s3 =	stileid.u32;
	s7 =	simm.s32 $0x0  }
0x5: {  	s13 =	simm.s32 $0x3;
	s14 =	simm.s32 $0x1CC80;
	s15 =	simm.s32 $0x19A00  }
0x6: {  	s16 =	simm.s32 $0x1AB00;
	s17 =	simm.s32 $0x1A280;
	s18 =	simm.s32 $0x1B300  }
0x7: {  	s19 =	simm.s32 $0x1;
	s1 =	sand.u32 $0x1, s1;
	s3 =	sshll.u32 s3, $0x1  }
.Ltmp0:
0x8: {  	s4 =	ssub.s32 $0x2, s1;
	s1 =	sor.u32 s1, s3;
	(pc) =	sbr.rel .LBB2_1-.Ltmp0, $4  }
0x9: {  	s20 =	simm.s32 $0xCD00;
	s21 =	simm.s32 $0x2;
	s8 =	smul.u32 $0xA, s1  }
0xa: {  	s22 =	simm.s32 $0x0;
	[smem:$0x7FF] =	sst s7;
	s31 =	sshrl.u32 s4, $0x1  }
0xb: {  	v0 =	vimm.f32 $0.0e+00;
	s10 =	sadd.s32 $0x1FE6E6, s6;
	s3 =	ssub.s32 s4, s31;
	s9 =	sadd.s32 $0x1CB00, s8  }
0xc: {  	v1 =	vlaneseq.u32;
	_ =	strace $0x80000047;
	p0 =	sne.s32 s1, $0x1F;
	s11 =	smax.u32 s3, $0x1;
	v2 =	vmov s8;
	v3 =	vmov s9  }
.LBB2_49:
0xd: {  	_ =	swait.ge [sflag:s19], $0x820  }
0xe: {  	[sflag:s19] =	ssyncset.done $0x0  }
0xf: {  	[sflag:s19] =	ssyncadd.s32 $0xFFFFF7E0  }
0x10: {  	_ =	swait.ge [sflag:s19], $0x800  }
0x11: {  	[sflag:s19] =	ssyncset.done $0x0  }
0x12: {  	[sflag:s19] =	ssyncadd.s32 $0xFFFFF800  }
0x13: {  	_ =	swait.ge [sflag:s19], $0x820  }
0x14: {  	[sflag:s19] =	ssyncset.done $0x0  }
0x15: {  	[sflag:s19] =	ssyncadd.s32 $0xFFFFF7E0  }
0x16: {  	_ =	swait.ge [sflag:s19], $0x800  }
0x17: {  	[sflag:s19] =	ssyncset.done $0x0  }
0x18: {  	[sflag:s19] =	ssyncadd.s32 $0xFFFFF800  }
0x19: {  	_ =	swait.ge [sflag:s21], $0xCCD0  }
0x1a: {  	[sflag:s21] =	ssyncset.done $0x0  }
0x1b: {  	s1 =	simm.s32 @p0 $0x2;
	s22 =	sadd.s32 $0x1, s22;
	[sflag:s21] =	ssyncadd.s32 $0xFFFF3330  }
0x1c: {  	p1 =	sne.s32 s22, s11;
	_ =	swait.ge @p0 [sflag:s1], $0xCCD0  }
.Ltmp1:
0x1d: {  	[sflag:s1] =	ssyncset.done @p0 $0x0;
	(pc) =	sbr.rel @!p1 .LBB2_50-.Ltmp1, $4  }
0x1e: {  	[sflag:s1] =	ssyncadd.s32 @p0 $0xFFFF3330;
	s1 =	simm.s32 @!p0 $0x2  }
0x1f: {  	_ =	swait.ge @!p0 [sflag:s1], $0xC8D0  }
0x20: {  	[sflag:s1] =	ssyncset.done @!p0 $0x0  }
0x21: {  	[sflag:s1] =	ssyncadd.s32 @!p0 $0xFFFF3730  }
.LBB2_1:
0x22: {  	s1 =	rddreg [dreg:$0x2];
	s3 =	simm.s32 $0x1CB00  }
0x23: {  	[tilespmem:s3], [sflag:$0x3] =	stream.linear.gather [hbm4b:s1+s7], $0x180, $0x38;
	[tilespmem:$0x1CE00] =	vst v63  }
0x24: {  	_ =	swait.ge [sflag:s13], $0x180  }
0x25: {  	[sflag:s13] =	ssyncset.done $0x0  }
0x26: {  	[sflag:s13] =	ssyncadd.s32 $0xFFFFFE80  }
0x27: {  	s31 =	rddreg [dreg:$0x3]  }
0x28: {  	[tilespmem:s14], [sflag:$0x3] =	stream.linear.gather [hbm4b:s31+s7], $0x180, $0x38;
	[tilespmem:$0x1CE00] =	vst v63  }
0x29: {  	_ =	swait.ge [sflag:s13], $0x180  }
0x2a: {  	[sflag:s13] =	ssyncset.done $0x0  }
0x2b: {  	s1 =	simm.s32 $0x0;
	s3 =	simm.s32 $0x200;
	[sflag:s13] =	ssyncadd.s32 $0xFFFFFE80  }
.LBB2_2:
0x2c: {  	p1 =	sne.s32 s3, $0x33000;
	[tilespmem:s1+$0x70] =	vst v0  }
0x2d: {  	[tilespmem:s1+$0x0] =	vst v0  }
0x2e: {  	[tilespmem:s1+$0x10] =	vst v0  }
.Ltmp2:
0x2f: {  	[tilespmem:s1+$0x20] =	vst v0;
	(pc) =	sbr.rel @p1 .LBB2_2-.Ltmp2, $4  }
0x30: {  	[tilespmem:s1+$0x30] =	vst v0  }
0x31: {  	[tilespmem:s1+$0x40] =	vst v0  }
0x32: {  	[tilespmem:s1+$0x50] =	vst v0  }
0x33: {  	[tilespmem:s1+$0x60] =	vst v0;
	s1 =	sshra.s32 s3, $0x2;
	s3 =	sadd.s32 $0x200, s3  }
0x34: {  	[tilespmem:s1+$0x70] =	vst v0  }
0x35: {  	[tilespmem:s1+$0x0] =	vst v0  }
0x36: {  	[tilespmem:s1+$0x10] =	vst v0  }
0x37: {  	[tilespmem:s1+$0x20] =	vst v0  }
0x38: {  	[tilespmem:s1+$0x30] =	vst v0  }
0x39: {  	[tilespmem:s1+$0x40] =	vst v0  }
0x3a: {  	[tilespmem:s1+$0x50] =	vst v0  }
0x3b: {  	[tilespmem:s1+$0x60] =	vst v0  }
0x3c: {  	[tilespmem:$0xCC80] =	vst v0  }
0x3d: {  	[tilespmem:$0xCC90] =	vst v0  }
0x3e: {  	[tilespmem:$0xCCA0] =	vst v0  }
0x3f: {  	[tilespmem:$0xCCB0] =	vst v0  }
0x40: {  	s1 =	simm.s32 $0x0;
	s3 =	simm.s32 $0x200;
	[tilespmem:$0xCCC0] =	vst v0  }
.LBB2_4:
0x41: {  	p1 =	sne.s32 s3, $0x33000;
	[tilespmem:s1+$0xCD70] =	vst v0  }
0x42: {  	[tilespmem:s1+$0xCD00] =	vst v0  }
0x43: {  	[tilespmem:s1+$0xCD10] =	vst v0  }
.Ltmp3:
0x44: {  	[tilespmem:s1+$0xCD20] =	vst v0;
	(pc) =	sbr.rel @p1 .LBB2_4-.Ltmp3, $4  }
0x45: {  	[tilespmem:s1+$0xCD30] =	vst v0  }
0x46: {  	[tilespmem:s1+$0xCD40] =	vst v0  }
0x47: {  	[tilespmem:s1+$0xCD50] =	vst v0  }
0x48: {  	[tilespmem:s1+$0xCD60] =	vst v0;
	s1 =	sshra.s32 s3, $0x2;
	s3 =	sadd.s32 $0x200, s3  }
0x49: {  	[tilespmem:s1+$0xCD70] =	vst v0  }
0x4a: {  	[tilespmem:s1+$0xCD00] =	vst v0  }
0x4b: {  	[tilespmem:s1+$0xCD10] =	vst v0  }
0x4c: {  	[tilespmem:s1+$0xCD20] =	vst v0  }
0x4d: {  	[tilespmem:s1+$0xCD30] =	vst v0  }
0x4e: {  	[tilespmem:s1+$0xCD40] =	vst v0  }
0x4f: {  	[tilespmem:s1+$0xCD50] =	vst v0  }
0x50: {  	[tilespmem:s1+$0xCD60] =	vst v0  }
0x51: {  	[tilespmem:$0x19980] =	vst v0  }
0x52: {  	[tilespmem:$0x19990] =	vst v0  }
0x53: {  	[tilespmem:$0x199A0] =	vst v0  }
0x54: {  	[tilespmem:$0x199B0] =	vst v0  }
0x55: {  	[tilespmem:$0x199C0] =	vst v0  }
0x56: {  	v4 =	vld [tilespmem:s8+$0x1CB00];
	_ =	sdelay $0x4  }
0x57: {  	(v2sf) =	vpush v4, $0x0;
	_ =	sdelay $0xe  }
0x58: {  	s29 =	spop (v2sf)  }
0x59: {  	s1 =	sshrl.u32 s29, $0x3  }
0x5a: {  	s23 =	simm.s32 $0x0;
	s3 =	sadd.s32 s0, s1  }
0x5b: {  	[tilespmem:s15], [sflag:$0x1] =	stream.linear.gather [hbm4b:s3+s23], $0x820, $0x38;
	[tilespmem:$0x1CE00] =	vst v63  }
0x5c: {  	s1 =	sadd.s32 s2, s1  }
0x5d: {  	[tilespmem:s16], [sflag:$0x1] =	stream.linear.gather [hbm4b:s1+s23], $0x800, $0x38;
	[tilespmem:$0x1CE00] =	vst v63  }
0x5e: {  	v4 =	vld [tilespmem:s8+$0x1CB01];
	_ =	sdelay $0x4  }
0x5f: {  	(v2sf) =	vpush v4, $0x0;
	_ =	sdelay $0xe  }
0x60: {  	s30 =	spop (v2sf)  }
.Ltmp4:
0x61: {  	s1 =	sshrl.u32 s30, $0x3;
	(pc) =	sbr.rel .LBB2_6-.Ltmp4, $4  }
0x62: {  	s31 =	sadd.s32 s0, s1  }
0x63: {  	[tilespmem:s17], [sflag:$0x1] =	stream.linear.gather [hbm4b:s31+s23], $0x820, $0x38;
	[tilespmem:$0x1CE00] =	vst v63  }
0x64: {  	s1 =	sadd.s32 s2, s1  }
0x65: {  	[tilespmem:s18], [sflag:$0x1] =	stream.linear.gather [hbm4b:s1+s23], $0x800, $0x38;
	[tilespmem:$0x1CE00] =	vst v63  }
.LBB2_48:
0x66: {  	v4 =	vld [tilespmem:s24+$0x3];
	_ =	sdelay $0x4  }
0x67: {  	(v2sf) =	vpush v4, $0x0;
	_ =	sdelay $0xe  }
0x68: {  	s1 =	spop (v2sf)  }
0x69: {  	s1 =	sshrl.u32 s1, $0x3  }
0x6a: {  	s3 =	sadd.s32 s0, s1  }
0x6b: {  	[tilespmem:s17], [sflag:$0x1] =	stream.linear.gather [hbm4b:s3+s7], $0x820, $0x38;
	[tilespmem:$0x1CE00] =	vst v63  }
0x6c: {  	p1 =	sne.s32 s25, $0x13F;
	s1 =	sadd.s32 s2, s1  }
0x6d: {  	[tilespmem:s18], [sflag:$0x1] =	stream.linear.gather [hbm4b:s1+s7], $0x800, $0x38;
	[tilespmem:$0x1CE00] =	vst v63  }
0x6e: {  	s1 =	sshrl.u32 @p1 s28, $0x3  }
0x6f: {  	s4 =	simm.s32 @p1 $0xCD00;
	s3 =	simm.s32 @p1 $0x0;
	s1 =	sadd.s32 @p1 s6, s1  }
0x70: {  	[hbm4b:s1+s3] =	stream.linear.scatter @p1 [tilespmem:s4], [sflag:$0x2], $0xCCD0, $0x38;
	[tilespmem:$0x1CE00] =	vst v63  }
0x71: {  	s23 =	sadd.s32 $0x1, s23;
	s1 =	simm.s32 @!p1 $0x0;
	s3 =	simm.s32 @!p1 $0xCD00  }
0x72: {  	[hbm4b:s10+s1] =	stream.linear.scatter @!p1 [tilespmem:s3], [sflag:$0x2], $0xC8D0, $0x38;
	[tilespmem:$0x1CE00] =	vst v63  }
0x73: {  	p1 =	sne.s32 s23, $0x5  }
.Ltmp5:
0x74: {  	_ = 	snop;
	(pc) =	sbr.rel @!p1 .LBB2_49-.Ltmp5, $1  }
0x75: {  	_ =	sdelay $0x3  }
.LBB2_6:
0x76: {  	_ =	sdelay $0x2  }
0x77: {  	s24 =	sshll.u32 s23, $0x1  }
0x78: {  	v7 =	vld.idx.msk [tilespmem:v2+s24+$0x1CB00 ss:$0x1], $0xffff;
	_ =	sdelay $0x4  }
0x79: {  	(v2sf) =	vpush v7, $0x0  }
0x7a: {  	(v2sf) =	vpush v7, $0x1;
	_ =	sdelay $0x9  }
0x7b: {  	p1 =	seq.s32 s23, $0x0  }
.Ltmp6:
0x7c: {  	_ = 	snop;
	(pc) =	sbr.rel @p1 .LBB2_15-.Ltmp6, $3  }
0x7d: {  	_ =	sdelay $0x1  }
0x7e: {  	s26 =	sadd.s32 s8, s24;
	s25 =	spop (v2sf)  }
0x7f: {  	v4 =	vld.msk [tilespmem:s26+$0x1CC80 ss:$0x0], $0xffff;
	s28 =	spop (v2sf)  }
0x80: {  	_ = 	snop  }
0x81: {  	_ =	swait.ge [sflag:s21], $0xCCD0  }
0x82: {  	[sflag:s21] =	ssyncset.done $0x0  }
0x83: {  	[sflag:s21] =	ssyncadd.s32 $0xFFFF3330  }
0x84: {  	v5 =	vld.idx.msk [tilespmem:v3+s24+$0xFFFFFFFE ss:$0x1], $0xffff;
	_ =	sdelay $0x4  }
0x85: {  	(v2sf) =	vpush v5, $0x0  }
0x86: {  	(v2sf) =	vpush v5, $0x1;
	_ =	sdelay $0xd  }
0x87: {  	s1 =	spop (v2sf)  }
0x88: {  	s3 =	spop (v2sf);
	s1 =	sand.u32 $0xFFFFFFF8, s1  }
0x89: {  	s1 =	ssub.s32 s3, s1  }
0x8a: {  	s3 =	sadd.s32 $0x7FF, s1  }
0x8b: {  	s4 =	sand.u32 $0x7FF, s3  }
0x8c: {  	s31 =	sshra.s32 s3, $0x1F;
	p3 =	slt.s32 s3, $0x1;
	p2 =	sne.s32 s4, $0x0  }
0x8d: {  	s4 =	sshrl.u32 s31, $0x15;
	p2 =	por !p3, !p2  }
0x8e: {  	s3 =	sadd.s32 s4, s3;
	s4 =	simm.s32 $0x1;
	p2 =	por !p2, !p2  }
0x8f: {  	s3 =	sshra.s32 s3, $0xB;
	s4 =	simm.s32 @!p2 $0x0  }
0x90: {  	s3 =	ssub.s32 s3, s4  }
0x91: {  	p2 =	sgt.s32 s3, $0x1  }
.Ltmp7:
0x92: {  	_ = 	snop;
	(pc) =	sbr.rel @p2 .LBB2_12-.Ltmp7, $2  }
0x93: {  	_ =	sdelay $0x2  }
0x94: {  	s3 =	simm.s32 $0x0  }
0x95: {  	s1 =	sadd.s32 $0xF, s1  }
0x96: {  	s3 =	sand.u32 $0xF, s1  }
0x97: {  	s4 =	sshra.s32 s1, $0x1F;
	p2 =	slt.s32 s1, $0x1;
	p3 =	sne.s32 s3, $0x0  }
0x98: {  	s31 =	sshrl.u32 s4, $0x1C;
	p2 =	por !p2, !p3  }
0x99: {  	s3 =	simm.s32 $0x1;
	s1 =	sadd.s32 s31, s1;
	p2 =	por !p2, !p2  }
0x9a: {  	s1 =	sshra.s32 s1, $0x4;
	s3 =	simm.s32 @!p2 $0x0  }
0x9b: {  	s3 =	ssub.s32 s1, s3  }
0x9c: {  	p2 =	slt.s32 s3, $0x1  }
.Ltmp8:
0x9d: {  	_ = 	snop;
	(pc) =	sbr.rel @p2 .LBB2_15-.Ltmp8, $2  }
0x9e: {  	_ =	sdelay $0x2  }
0x9f: {  	s1 =	simm.s32 $0x1BB00  }
0xa0: {  	p2 =	seq.s32 s3, $0x1  }
.Ltmp9:
0xa1: {  	_ = 	snop;
	(pc) =	sbr.rel @p2 .LBB2_11-.Ltmp9, $2  }
0xa2: {  	_ =	sdelay $0x2  }
0xa3: {  	v5 =	vld [tilespmem:s1+$0x0];
	s3 =	sadd.s32 $0xFFFFFFFF, s3  }
.LBB2_10:
0xa4: {  	p2 =	seq.s32 s3, $0x1;
	_ =	sdelay $0x3  }
.Ltmp10:
0xa5: {  	(pc) =	sbr.rel @!p2 .LBB2_10-.Ltmp10, $3  }
0xa6: {  	_ =	sdelay $0x1  }
0xa7: {  	s1 =	sadd.s32 $0x10, s1;
	[tilespmem:v5+s7+$0x0] =	vst.idx.msk $0xffff, v0  }
0xa8: {  	s3 =	sadd.s32 $0xFFFFFFFF, s3;
	v5 =	vld [tilespmem:s1+$0x0]  }
.LBB2_11:
0xa9: {  	_ =	sdelay $0x3  }
.Ltmp11:
0xaa: {  	_ = 	snop;
	(pc) =	sbr.rel .LBB2_15-.Ltmp11, $2  }
0xab: {  	_ =	sdelay $0x2  }
0xac: {  	[tilespmem:v5+s7+$0x0] =	vst.idx.msk $0xffff, v0  }
.LBB2_12:
0xad: {  	s1 =	sshra.s32 s3, $0x2;
	s3 =	sadd.s32 $0x200, s3  }
.LBB2_13:
0xae: {  	p2 =	sne.s32 s3, $0x33000;
	[tilespmem:s1+$0x70] =	vst v0  }
0xaf: {  	[tilespmem:s1+$0x0] =	vst v0  }
0xb0: {  	[tilespmem:s1+$0x10] =	vst v0  }
.Ltmp12:
0xb1: {  	[tilespmem:s1+$0x20] =	vst v0;
	(pc) =	sbr.rel @p2 .LBB2_13-.Ltmp12, $4  }
0xb2: {  	[tilespmem:s1+$0x30] =	vst v0  }
0xb3: {  	[tilespmem:s1+$0x40] =	vst v0  }
0xb4: {  	[tilespmem:s1+$0x50] =	vst v0  }
0xb5: {  	[tilespmem:s1+$0x60] =	vst v0;
	s1 =	sshra.s32 s3, $0x2;
	s3 =	sadd.s32 $0x200, s3  }
0xb6: {  	[tilespmem:s1+$0x70] =	vst v0  }
0xb7: {  	[tilespmem:s1+$0x0] =	vst v0  }
0xb8: {  	[tilespmem:s1+$0x10] =	vst v0  }
0xb9: {  	[tilespmem:s1+$0x20] =	vst v0  }
0xba: {  	[tilespmem:s1+$0x30] =	vst v0  }
0xbb: {  	[tilespmem:s1+$0x40] =	vst v0  }
0xbc: {  	[tilespmem:s1+$0x50] =	vst v0  }
0xbd: {  	[tilespmem:s1+$0x60] =	vst v0  }
0xbe: {  	[tilespmem:$0xCC80] =	vst v0  }
0xbf: {  	[tilespmem:$0xCC90] =	vst v0  }
0xc0: {  	[tilespmem:$0xCCA0] =	vst v0  }
0xc1: {  	[tilespmem:$0xCCB0] =	vst v0  }
0xc2: {  	[tilespmem:$0xCCC0] =	vst v0  }
.LBB2_15:
0xc3: {  	s25 =	sand.u32 $0xFFFFFFF8, s25  }
0xc4: {  	s28 =	ssub.s32 s28, s25  }
0xc5: {  	s1 =	sadd.s32 $0xF, s28  }
0xc6: {  	s3 =	sand.u32 $0xF, s1  }
0xc7: {  	s31 =	sshra.s32 s1, $0x1F;
	p3 =	slt.s32 s1, $0x1;
	p2 =	sne.s32 s3, $0x0  }
0xc8: {  	s3 =	sshrl.u32 s31, $0x1C;
	p2 =	por !p3, !p2  }
0xc9: {  	s1 =	sadd.s32 s3, s1;
	s3 =	simm.s32 $0x1;
	p2 =	por !p2, !p2  }
0xca: {  	s1 =	sshra.s32 s1, $0x4;
	s3 =	simm.s32 @!p2 $0x0  }
0xcb: {  	s1 =	ssub.s32 s1, s3  }
0xcc: {  	_ =	swait.ge [sflag:s19], $0x820;
	p2 =	slt.s32 s1, $0x1  }
.Ltmp13:
0xcd: {  	[sflag:s19] =	ssyncset.done $0x0;
	(pc) =	sbr.rel @p2 .LBB2_22-.Ltmp13, $4  }
0xce: {  	[sflag:s19] =	ssyncadd.s32 $0xFFFFF7E0  }
0xcf: {  	s26 =	smul.u32 $0xCCD0, s26;
	_ =	swait.ge [sflag:s19], $0x800  }
0xd0: {  	[sflag:s19] =	ssyncset.done $0x0  }
0xd1: {  	v6 =	vbroadcast v7, $0x0;
	v7 =	vbroadcast v7, $0x1;
	v5 =	vmov s26;
	[sflag:s19] =	ssyncadd.s32 $0xFFFFF800  }
0xd2: {  	s1 =	smin.u32 s1, $0x80  }
0xd3: {  	p3 =	sne.s32 s1, $0x1  }
.Ltmp14:
0xd4: {  	_ = 	snop;
	(pc) =	sbr.rel @!p3 .LBB2_17-.Ltmp14, $4  }
0xd5: {  	_ = 	snop  }
0xd6: {  	s3 =	simm.s32 $0x19A01  }
0xd7: {  	s30 =	simm.s32 $0x1AB00;
	v9 =	vld [tilespmem:s3+$0x0]  }
0xd8: {  	s29 =	simm.s32 $0x1BB00;
	p2 =	por $0x0, $0x0;
	v8 =	vld [tilespmem:s3+$0xFFFFFFFF];
	s1 =	sadd.s32 $0xFFFFFFFF, s1  }
0xd9: {  	_ =	sdelay $0x2  }
0xda: {  	v10 =	vadd.s32 s25, v1  }
0xdb: {  	vm1 =	vge.s32 v10, v6;
	vm0 =	vne.s32 v8, v9  }
0xdc: {  	vm15 =	vlt.s32 v10, v7;
	vm0 =	vmand vm1, vm0  }
0xdd: {  	v9 =	vld [tilespmem:s30+$0x0];
	v8 =	vsub.s32 v8, v5;
	vm0 =	vmand vm15, vm0  }
0xde: {  	v8 =	vnsel vm0, $0x0, v8;
	_ =	sdelay $0x3  }
0xdf: {  	p3 =	sne.s32 s1, $0x1;
	v9 =	vsel vm0, v9, v4  }
.Ltmp15:
0xe0: {  	[tilespmem:v8+s7+$0x0] =	vst.idx.msk $0xffff, v9;
	(pc) =	sbr.rel @!p3 .LBB2_19-.Ltmp15, $4  }
0xe1: {  	s4 =	simm.s32 $0x19A11;
	[tilespmem:s29+$0x0] =	vst v8  }
0xe2: {  	v9 =	vld [tilespmem:s4+$0x0]  }
0xe3: {  	s5 =	sadd.s32 $0xFFFFFFFF, s1;
	p2 =	por $0x1, $0x1;
	v8 =	vld [tilespmem:s4+$0xFFFFFFFF]  }
0xe4: {  	s3 =	smov.u32 s25;
	s1 =	simm.s32 $0x1AB00;
	s31 =	simm.s32 $0x1BB00  }
.LBB2_20:
0xe5: {  	p3 =	sne.s32 s5, $0x1  }
0xe6: {  	s3 =	sadd.s32 $0x10, s3  }
0xe7: {  	v10 =	vadd.s32 s3, v1  }
0xe8: {  	vm1 =	vge.s32 v10, v6;
	vm0 =	vne.s32 v8, v9  }
0xe9: {  	s1 =	sadd.s32 $0x10, s1;
	vm0 =	vmand vm1, vm0;
	vm1 =	vlt.s32 v10, v7  }
0xea: {  	v8 =	vsub.s32 v8, v5;
	v9 =	vld [tilespmem:s1+$0x0];
	vm0 =	vmand vm1, vm0  }
0xeb: {  	v8 =	vnsel vm0, $0x0, v8;
	_ =	sdelay $0x3  }
0xec: {  	v9 =	vsel vm0, v9, v4  }
.Ltmp16:
0xed: {  	s31 =	sadd.s32 $0x10, s31;
	[tilespmem:v8+s7+$0x0] =	vst.idx.msk $0xffff, v9;
	(pc) =	sbr.rel @p3 .LBB2_20-.Ltmp16, $4  }
0xee: {  	s4 =	sadd.s32 $0x10, s4;
	[tilespmem:s31+$0x0] =	vst v8  }
0xef: {  	v9 =	vld [tilespmem:s4+$0x0]  }
0xf0: {  	v8 =	vld [tilespmem:s4+$0xFFFFFFFF]  }
0xf1: {  	s5 =	sadd.s32 $0xFFFFFFFF, s5  }
.LBB2_21:
0xf2: {  	s3 =	sadd.s32 @p2 $0x10, s3;
	s4 =	smov.u32 s25  }
0xf3: {  	s4 =	smov.u32 @p2 s3  }
0xf4: {  	v10 =	vadd.s32 s4, v1  }
0xf5: {  	s1 =	sadd.s32 @p2 $0x10, s1;
	vm0 =	vne.s32 v8, v9;
	vm1 =	vge.s32 v10, v6  }
0xf6: {  	s30 =	smov.u32 @p2 s1;
	vm15 =	vlt.s32 v10, v7;
	vm0 =	vmand vm1, vm0  }
0xf7: {  	v63 =	vld [tilespmem:s30+$0x0];
	v8 =	vsub.s32 v8, v5;
	vm0 =	vmand vm15, vm0  }
0xf8: {  	v8 =	vnsel vm0, $0x0, v8;
	_ =	sdelay $0x3  }
0xf9: {  	s1 =	sadd.s32 @p2 $0x10, s31;
	v9 =	vsel vm0, v63, v4  }
0xfa: {  	s29 =	smov.u32 @p2 s1;
	[tilespmem:v8+s7+$0x0] =	vst.idx.msk $0xffff, v9  }
0xfb: {  	[tilespmem:s29+$0x0] =	vst v8  }
.LBB2_22:
0xfc: {  	s1 =	sadd.s32 $0x7FF, s28  }
0xfd: {  	s3 =	sand.u32 $0x7FF, s1  }
0xfe: {  	s4 =	sshra.s32 s1, $0x1F;
	p2 =	slt.s32 s1, $0x1;
	p3 =	sne.s32 s3, $0x0  }
0xff: {  	s31 =	sshrl.u32 s4, $0x15;
	p2 =	por !p2, !p3  }
0x100: {  	s3 =	simm.s32 $0x1;
	s1 =	sadd.s32 s31, s1;
	p2 =	por !p2, !p2  }
0x101: {  	s1 =	sshra.s32 s1, $0xB;
	s3 =	simm.s32 @!p2 $0x0  }
0x102: {  	s28 =	ssub.s32 s1, s3  }
0x103: {  	p2 =	slt.s32 s28, $0x2  }
.Ltmp17:
0x104: {  	_ = 	snop;
	(pc) =	sbr.rel @p2 .LBB2_27-.Ltmp17, $1  }
0x105: {  	_ =	sdelay $0x3  }
0x106: {  	s29 =	sadd.s32 $0x800, s25;
	s30 =	simm.s32 $0x1  }
.LBB2_24:
0x107: {  	s1 =	sshll.u32 s30, $0xB  }
0x108: {  	s1 =	sadd.s32 s25, s1  }
0x109: {  	s1 =	sshrl.u32 s1, $0x3  }
0x10a: {  	s4 =	simm.s32 $0x0;
	s3 =	sadd.s32 s0, s1  }
0x10b: {  	[tilespmem:s15], [sflag:$0x3] =	stream.linear.gather [hbm4b:s3+s4], $0x820, $0x38;
	[tilespmem:$0x1CE00] =	vst v63  }
0x10c: {  	_ =	swait.ge [sflag:s13], $0x820  }
0x10d: {  	[sflag:s13] =	ssyncset.done $0x0  }
0x10e: {  	s1 =	sadd.s32 s2, s1;
	[sflag:s13] =	ssyncadd.s32 $0xFFFFF7E0  }
0x10f: {  	[tilespmem:s16], [sflag:$0x3] =	stream.linear.gather [hbm4b:s1+s4], $0x800, $0x38;
	[tilespmem:$0x1CE00] =	vst v63  }
0x110: {  	_ =	swait.ge [sflag:s13], $0x800  }
0x111: {  	[sflag:s13] =	ssyncset.done $0x0  }
0x112: {  	s31 =	simm.s32 $0x0;
	[sflag:s13] =	ssyncadd.s32 $0xFFFFF800  }
0x113: {  	v8 =	vld [tilespmem:s31+$0x19A01]  }
0x114: {  	v9 =	vld [tilespmem:s31+$0x19A00];
	_ =	sdelay $0x3  }
0x115: {  	v10 =	vadd.s32 s29, v1  }
0x116: {  	vm1 =	vge.s32 v10, v6;
	vm0 =	vne.s32 v9, v8  }
0x117: {  	vm15 =	vlt.s32 v10, v7;
	vm0 =	vmand vm1, vm0  }
0x118: {  	v8 =	vld [tilespmem:s31+$0x1AB00];
	v9 =	vsub.s32 v9, v5;
	vm0 =	vmand vm15, vm0  }
0x119: {  	v9 =	vnsel vm0, $0x0, v9;
	_ =	sdelay $0x3  }
0x11a: {  	v8 =	vsel vm0, v8, v4  }
0x11b: {  	s3 =	simm.s32 $0x10;
	[tilespmem:v9+s7+$0x0] =	vst.idx.msk $0xffff, v8  }
0x11c: {  	s4 =	simm.s32 $0x80;
	s1 =	smov.u32 s29;
	v8 =	vld [tilespmem:s3+$0x19A01]  }
.LBB2_25:
0x11d: {  	p2 =	sne.s32 s4, $0x1FC0;
	v9 =	vld [tilespmem:s3+$0x19A00];
	_ =	sdelay $0x2  }
0x11e: {  	s1 =	sadd.s32 $0x10, s1  }
0x11f: {  	v10 =	vadd.s32 s1, v1  }
0x120: {  	vm1 =	vge.s32 v10, v6;
	vm0 =	vne.s32 v9, v8  }
0x121: {  	vm0 =	vmand vm1, vm0;
	vm1 =	vlt.s32 v10, v7  }
0x122: {  	v9 =	vsub.s32 v9, v5;
	v8 =	vld [tilespmem:s3+$0x1AB00];
	vm0 =	vmand vm1, vm0  }
0x123: {  	v9 =	vnsel vm0, $0x0, v9;
	_ =	sdelay $0x1  }
.Ltmp18:
0x124: {  	(pc) =	sbr.rel @p2 .LBB2_25-.Ltmp18, $4  }
0x125: {  	_ = 	snop  }
0x126: {  	v8 =	vsel vm0, v8, v4  }
0x127: {  	s3 =	sshra.s32 s4, $0x2;
	[tilespmem:v9+s7+$0x0] =	vst.idx.msk $0xffff, v8  }
0x128: {  	s4 =	sadd.s32 $0x40, s4;
	v8 =	vld [tilespmem:s3+$0x19A01]  }
0x129: {  	v9 =	vld [tilespmem:s3+$0x19A00];
	_ =	sdelay $0x2  }
0x12a: {  	s1 =	sadd.s32 $0x10, s1  }
0x12b: {  	v10 =	vadd.s32 s1, v1  }
0x12c: {  	vm1 =	vge.s32 v10, v6;
	vm0 =	vne.s32 v9, v8  }
0x12d: {  	vm15 =	vlt.s32 v10, v7;
	vm0 =	vmand vm1, vm0  }
0x12e: {  	s30 =	sadd.s32 $0x1, s30;
	v8 =	vld [tilespmem:s3+$0x1AB00];
	v9 =	vsub.s32 v9, v5;
	vm0 =	vmand vm15, vm0  }
0x12f: {  	p2 =	sne.s32 s30, s28;
	v9 =	vnsel vm0, $0x0, v9  }
.Ltmp19:
0x130: {  	_ = 	snop;
	(pc) =	sbr.rel @p2 .LBB2_24-.Ltmp19, $3  }
0x131: {  	_ =	sdelay $0x1  }
0x132: {  	v8 =	vsel vm0, v8, v4  }
0x133: {  	s29 =	sadd.s32 $0x800, s29;
	[tilespmem:v9+s7+$0x0] =	vst.idx.msk $0xffff, v8  }
.LBB2_27:
0x134: {  	_ =	sdelay $0x3  }
0x135: {  	v4 =	vld.idx.msk [tilespmem:v3+s24+$0x2 ss:$0x1], $0xffff;
	_ =	sdelay $0x4  }
0x136: {  	(v2sf) =	vpush v4, $0x0;
	_ =	sdelay $0xe  }
0x137: {  	s1 =	spop (v2sf)  }
0x138: {  	s1 =	sshrl.u32 s1, $0x3  }
0x139: {  	s3 =	sadd.s32 s0, s1  }
0x13a: {  	[tilespmem:s15], [sflag:$0x1] =	stream.linear.gather [hbm4b:s3+s7], $0x820, $0x38;
	[tilespmem:$0x1CE00] =	vst v63  }
0x13b: {  	s31 =	sshrl.u32 s26, $0x3;
	s1 =	sadd.s32 s2, s1  }
0x13c: {  	[tilespmem:s16], [sflag:$0x1] =	stream.linear.gather [hbm4b:s1+s7], $0x800, $0x38;
	[tilespmem:$0x1CE00] =	vst v63  }
0x13d: {  	s1 =	sadd.s32 s6, s31  }
0x13e: {  	[hbm4b:s1+s7] =	stream.linear.scatter [tilespmem:s7], [sflag:$0x2], $0xCCD0, $0x38;
	[tilespmem:$0x1CE00] =	vst v63  }
0x13f: {  	v7 =	vld.idx.msk [tilespmem:v2+s24+$0x1CB01 ss:$0x1], $0xffff;
	_ =	sdelay $0x4  }
0x140: {  	(v2sf) =	vpush v7, $0x0  }
0x141: {  	(v2sf) =	vpush v7, $0x1;
	_ =	sdelay $0xa  }
.Ltmp20:
0x142: {  	_ = 	snop;
	(pc) =	sbr.rel @p1 .LBB2_36-.Ltmp20, $3  }
0x143: {  	_ =	sdelay $0x1  }
0x144: {  	s25 =	sadd.s32 s24, s8;
	s26 =	spop (v2sf)  }
0x145: {  	s24 =	sadd.s32 s24, s9;
	v4 =	vld.msk [tilespmem:s25+$0x1CC81 ss:$0x0], $0xffff;
	s28 =	spop (v2sf)  }
0x146: {  	_ =	swait.ge [sflag:s21], $0xCCD0  }
0x147: {  	[sflag:s21] =	ssyncset.done $0x0  }
0x148: {  	[sflag:s21] =	ssyncadd.s32 $0xFFFF3330  }
0x149: {  	v5 =	vld [tilespmem:s24+$0xFFFFFFFF];
	_ =	sdelay $0x4  }
0x14a: {  	(v2sf) =	vpush v5, $0x0  }
0x14b: {  	(v2sf) =	vpush v5, $0x1;
	_ =	sdelay $0xd  }
0x14c: {  	s1 =	spop (v2sf)  }
0x14d: {  	s3 =	spop (v2sf);
	s1 =	sand.u32 $0xFFFFFFF8, s1  }
0x14e: {  	s1 =	ssub.s32 s3, s1  }
0x14f: {  	s3 =	sadd.s32 $0x7FF, s1  }
0x150: {  	s4 =	sand.u32 $0x7FF, s3  }
0x151: {  	s31 =	sshra.s32 s3, $0x1F;
	p2 =	slt.s32 s3, $0x1;
	p1 =	sne.s32 s4, $0x0  }
0x152: {  	s4 =	sshrl.u32 s31, $0x15;
	p1 =	por !p2, !p1  }
0x153: {  	s3 =	sadd.s32 s4, s3;
	s4 =	simm.s32 $0x1;
	p1 =	por !p1, !p1  }
0x154: {  	s3 =	sshra.s32 s3, $0xB;
	s4 =	simm.s32 @!p1 $0x0  }
0x155: {  	s3 =	ssub.s32 s3, s4  }
0x156: {  	p1 =	sgt.s32 s3, $0x1  }
.Ltmp21:
0x157: {  	_ = 	snop;
	(pc) =	sbr.rel @p1 .LBB2_33-.Ltmp21, $2  }
0x158: {  	_ =	sdelay $0x2  }
0x159: {  	s3 =	simm.s32 $0x0  }
0x15a: {  	s1 =	sadd.s32 $0xF, s1  }
0x15b: {  	s3 =	sand.u32 $0xF, s1  }
0x15c: {  	s4 =	sshra.s32 s1, $0x1F;
	p1 =	slt.s32 s1, $0x1;
	p2 =	sne.s32 s3, $0x0  }
0x15d: {  	s31 =	sshrl.u32 s4, $0x1C;
	p1 =	por !p1, !p2  }
0x15e: {  	s3 =	simm.s32 $0x1;
	s1 =	sadd.s32 s31, s1;
	p1 =	por !p1, !p1  }
0x15f: {  	s1 =	sshra.s32 s1, $0x4;
	s3 =	simm.s32 @!p1 $0x0  }
0x160: {  	s3 =	ssub.s32 s1, s3  }
0x161: {  	p1 =	slt.s32 s3, $0x1  }
.Ltmp22:
0x162: {  	_ = 	snop;
	(pc) =	sbr.rel @p1 .LBB2_36-.Ltmp22, $2  }
0x163: {  	_ =	sdelay $0x2  }
0x164: {  	s1 =	simm.s32 $0x1C300  }
0x165: {  	p1 =	seq.s32 s3, $0x1  }
.Ltmp23:
0x166: {  	_ = 	snop;
	(pc) =	sbr.rel @p1 .LBB2_32-.Ltmp23, $2  }
0x167: {  	_ =	sdelay $0x2  }
0x168: {  	v5 =	vld [tilespmem:s1+$0x0];
	s3 =	sadd.s32 $0xFFFFFFFF, s3  }
.LBB2_31:
0x169: {  	p1 =	seq.s32 s3, $0x1;
	_ =	sdelay $0x3  }
.Ltmp24:
0x16a: {  	(pc) =	sbr.rel @!p1 .LBB2_31-.Ltmp24, $3  }
0x16b: {  	_ =	sdelay $0x1  }
0x16c: {  	s1 =	sadd.s32 $0x10, s1;
	[tilespmem:v5+s20+$0x0] =	vst.idx.msk $0xffff, v0  }
0x16d: {  	s3 =	sadd.s32 $0xFFFFFFFF, s3;
	v5 =	vld [tilespmem:s1+$0x0]  }
.LBB2_32:
0x16e: {  	_ =	sdelay $0x3  }
.Ltmp25:
0x16f: {  	_ = 	snop;
	(pc) =	sbr.rel .LBB2_36-.Ltmp25, $2  }
0x170: {  	_ =	sdelay $0x2  }
0x171: {  	[tilespmem:v5+s20+$0x0] =	vst.idx.msk $0xffff, v0  }
.LBB2_33:
0x172: {  	s1 =	sshra.s32 s3, $0x2;
	s3 =	sadd.s32 $0x200, s3  }
.LBB2_34:
0x173: {  	p1 =	sne.s32 s3, $0x33000;
	[tilespmem:s1+$0xCD70] =	vst v0  }
0x174: {  	[tilespmem:s1+$0xCD00] =	vst v0  }
0x175: {  	[tilespmem:s1+$0xCD10] =	vst v0  }
.Ltmp26:
0x176: {  	[tilespmem:s1+$0xCD20] =	vst v0;
	(pc) =	sbr.rel @p1 .LBB2_34-.Ltmp26, $4  }
0x177: {  	[tilespmem:s1+$0xCD30] =	vst v0  }
0x178: {  	[tilespmem:s1+$0xCD40] =	vst v0  }
0x179: {  	[tilespmem:s1+$0xCD50] =	vst v0  }
0x17a: {  	[tilespmem:s1+$0xCD60] =	vst v0;
	s1 =	sshra.s32 s3, $0x2;
	s3 =	sadd.s32 $0x200, s3  }
0x17b: {  	[tilespmem:s1+$0xCD70] =	vst v0  }
0x17c: {  	[tilespmem:s1+$0xCD00] =	vst v0  }
0x17d: {  	[tilespmem:s1+$0xCD10] =	vst v0  }
0x17e: {  	[tilespmem:s1+$0xCD20] =	vst v0  }
0x17f: {  	[tilespmem:s1+$0xCD30] =	vst v0  }
0x180: {  	[tilespmem:s1+$0xCD40] =	vst v0  }
0x181: {  	[tilespmem:s1+$0xCD50] =	vst v0  }
0x182: {  	[tilespmem:s1+$0xCD60] =	vst v0  }
0x183: {  	[tilespmem:$0x19980] =	vst v0  }
0x184: {  	[tilespmem:$0x19990] =	vst v0  }
0x185: {  	[tilespmem:$0x199A0] =	vst v0  }
0x186: {  	[tilespmem:$0x199B0] =	vst v0  }
0x187: {  	[tilespmem:$0x199C0] =	vst v0  }
.LBB2_36:
0x188: {  	s4 =	sand.u32 $0xFFFFFFF8, s26  }
0x189: {  	s29 =	ssub.s32 s28, s4  }
0x18a: {  	s1 =	sadd.s32 $0xF, s29  }
0x18b: {  	s3 =	sand.u32 $0xF, s1  }
0x18c: {  	s5 =	sshra.s32 s1, $0x1F;
	p1 =	slt.s32 s1, $0x1;
	p2 =	sne.s32 s3, $0x0  }
0x18d: {  	s31 =	sshrl.u32 s5, $0x1C;
	p1 =	por !p1, !p2  }
0x18e: {  	s3 =	simm.s32 $0x1;
	s1 =	sadd.s32 s31, s1;
	p1 =	por !p1, !p1  }
0x18f: {  	s1 =	sshra.s32 s1, $0x4;
	s3 =	simm.s32 @!p1 $0x0  }
0x190: {  	s1 =	ssub.s32 s1, s3  }
0x191: {  	_ =	swait.ge [sflag:s19], $0x820;
	p1 =	slt.s32 s1, $0x1  }
.Ltmp27:
0x192: {  	[sflag:s19] =	ssyncset.done $0x0;
	(pc) =	sbr.rel @p1 .LBB2_43-.Ltmp27, $4  }
0x193: {  	s25 =	sadd.s32 $0x1, s25;
	[sflag:s19] =	ssyncadd.s32 $0xFFFFF7E0  }
0x194: {  	s28 =	smul.u32 $0xCCD0, s25;
	_ =	swait.ge [sflag:s19], $0x800  }
0x195: {  	[sflag:s19] =	ssyncset.done $0x0  }
0x196: {  	v6 =	vbroadcast v7, $0x0;
	v7 =	vbroadcast v7, $0x1;
	v5 =	vmov s28;
	[sflag:s19] =	ssyncadd.s32 $0xFFFFF800  }
0x197: {  	s1 =	smin.u32 s1, $0x80  }
0x198: {  	p2 =	sne.s32 s1, $0x1  }
.Ltmp28:
0x199: {  	_ = 	snop;
	(pc) =	sbr.rel @!p2 .LBB2_38-.Ltmp28, $4  }
0x19a: {  	_ = 	snop  }
0x19b: {  	s3 =	simm.s32 $0x1A281  }
0x19c: {  	s31 =	simm.s32 $0x1B300;
	v9 =	vld [tilespmem:s3+$0x0]  }
0x19d: {  	s30 =	simm.s32 $0x1C300;
	p1 =	por $0x0, $0x0;
	v8 =	vld [tilespmem:s3+$0xFFFFFFFF];
	s1 =	sadd.s32 $0xFFFFFFFF, s1  }
0x19e: {  	_ =	sdelay $0x2  }
0x19f: {  	v10 =	vadd.s32 s4, v1  }
0x1a0: {  	vm1 =	vge.s32 v10, v6;
	vm0 =	vne.s32 v8, v9  }
0x1a1: {  	vm15 =	vlt.s32 v10, v7;
	vm0 =	vmand vm1, vm0  }
0x1a2: {  	v9 =	vld [tilespmem:s31+$0x0];
	v8 =	vsub.s32 v8, v5;
	vm0 =	vmand vm15, vm0  }
0x1a3: {  	v8 =	vnsel vm0, $0x0, v8;
	_ =	sdelay $0x3  }
0x1a4: {  	p2 =	sne.s32 s1, $0x1;
	v9 =	vsel vm0, v9, v4  }
.Ltmp29:
0x1a5: {  	[tilespmem:v8+s20+$0x0] =	vst.idx.msk $0xffff, v9;
	(pc) =	sbr.rel @!p2 .LBB2_40-.Ltmp29, $4  }
0x1a6: {  	s5 =	simm.s32 $0x1A291;
	[tilespmem:s30+$0x0] =	vst v8  }
0x1a7: {  	v9 =	vld [tilespmem:s5+$0x0]  }
0x1a8: {  	s12 =	sadd.s32 $0xFFFFFFFF, s1;
	p1 =	por $0x1, $0x1;
	v8 =	vld [tilespmem:s5+$0xFFFFFFFF]  }
0x1a9: {  	s26 =	smov.u32 s4;
	s3 =	simm.s32 $0x1B300;
	s1 =	simm.s32 $0x1C300  }
.LBB2_41:
0x1aa: {  	p2 =	sne.s32 s12, $0x1  }
0x1ab: {  	s26 =	sadd.s32 $0x10, s26  }
0x1ac: {  	v10 =	vadd.s32 s26, v1  }
0x1ad: {  	vm1 =	vge.s32 v10, v6;
	vm0 =	vne.s32 v8, v9  }
0x1ae: {  	s3 =	sadd.s32 $0x10, s3;
	vm0 =	vmand vm1, vm0;
	vm1 =	vlt.s32 v10, v7  }
0x1af: {  	v8 =	vsub.s32 v8, v5;
	v9 =	vld [tilespmem:s3+$0x0];
	vm0 =	vmand vm1, vm0  }
0x1b0: {  	v8 =	vnsel vm0, $0x0, v8;
	_ =	sdelay $0x3  }
0x1b1: {  	v9 =	vsel vm0, v9, v4  }
.Ltmp30:
0x1b2: {  	s1 =	sadd.s32 $0x10, s1;
	[tilespmem:v8+s20+$0x0] =	vst.idx.msk $0xffff, v9;
	(pc) =	sbr.rel @p2 .LBB2_41-.Ltmp30, $4  }
0x1b3: {  	s5 =	sadd.s32 $0x10, s5;
	[tilespmem:s1+$0x0] =	vst v8  }
0x1b4: {  	v9 =	vld [tilespmem:s5+$0x0]  }
0x1b5: {  	v8 =	vld [tilespmem:s5+$0xFFFFFFFF]  }
0x1b6: {  	s12 =	sadd.s32 $0xFFFFFFFF, s12  }
.LBB2_42:
0x1b7: {  	s5 =	sadd.s32 @p1 $0x10, s26;
	s12 =	smov.u32 s4  }
0x1b8: {  	s12 =	smov.u32 @p1 s5  }
0x1b9: {  	v10 =	vadd.s32 s12, v1  }
0x1ba: {  	s3 =	sadd.s32 @p1 $0x10, s3;
	vm0 =	vne.s32 v8, v9;
	vm1 =	vge.s32 v10, v6  }
0x1bb: {  	s31 =	smov.u32 @p1 s3;
	vm15 =	vlt.s32 v10, v7;
	vm0 =	vmand vm1, vm0  }
0x1bc: {  	v63 =	vld [tilespmem:s31+$0x0];
	v8 =	vsub.s32 v8, v5;
	vm0 =	vmand vm15, vm0  }
0x1bd: {  	v8 =	vnsel vm0, $0x0, v8;
	_ =	sdelay $0x3  }
0x1be: {  	s1 =	sadd.s32 @p1 $0x10, s1;
	v9 =	vsel vm0, v63, v4  }
0x1bf: {  	s30 =	smov.u32 @p1 s1;
	[tilespmem:v8+s20+$0x0] =	vst.idx.msk $0xffff, v9  }
0x1c0: {  	[tilespmem:s30+$0x0] =	vst v8  }
.LBB2_43:
0x1c1: {  	s1 =	sadd.s32 $0x7FF, s29  }
0x1c2: {  	s3 =	sand.u32 $0x7FF, s1  }
0x1c3: {  	s5 =	sshra.s32 s1, $0x1F;
	p1 =	slt.s32 s1, $0x1;
	p2 =	sne.s32 s3, $0x0  }
0x1c4: {  	s31 =	sshrl.u32 s5, $0x15;
	p1 =	por !p1, !p2  }
0x1c5: {  	s3 =	simm.s32 $0x1;
	s1 =	sadd.s32 s31, s1;
	p1 =	por !p1, !p1  }
0x1c6: {  	s1 =	sshra.s32 s1, $0xB;
	s3 =	simm.s32 @!p1 $0x0  }
0x1c7: {  	s29 =	ssub.s32 s1, s3  }
0x1c8: {  	p1 =	slt.s32 s29, $0x2  }
.Ltmp31:
0x1c9: {  	_ = 	snop;
	(pc) =	sbr.rel @p1 .LBB2_48-.Ltmp31, $1  }
0x1ca: {  	_ =	sdelay $0x3  }
0x1cb: {  	s30 =	sadd.s32 $0x800, s4;
	s31 =	simm.s32 $0x1  }
.LBB2_45:
0x1cc: {  	s1 =	sshll.u32 s31, $0xB  }
0x1cd: {  	s1 =	sadd.s32 s4, s1  }
0x1ce: {  	s1 =	sshrl.u32 s1, $0x3  }
0x1cf: {  	s5 =	simm.s32 $0x0;
	s3 =	sadd.s32 s0, s1  }
0x1d0: {  	[tilespmem:s17], [sflag:$0x3] =	stream.linear.gather [hbm4b:s3+s5], $0x820, $0x38;
	[tilespmem:$0x1CE00] =	vst v63  }
0x1d1: {  	_ =	swait.ge [sflag:s13], $0x820  }
0x1d2: {  	[sflag:s13] =	ssyncset.done $0x0  }
0x1d3: {  	s1 =	sadd.s32 s2, s1;
	[sflag:s13] =	ssyncadd.s32 $0xFFFFF7E0  }
0x1d4: {  	[tilespmem:s18], [sflag:$0x3] =	stream.linear.gather [hbm4b:s1+s5], $0x800, $0x38;
	[tilespmem:$0x1CE00] =	vst v63  }
0x1d5: {  	_ =	swait.ge [sflag:s13], $0x800  }
0x1d6: {  	[sflag:s13] =	ssyncset.done $0x0  }
0x1d7: {  	s26 =	simm.s32 $0x0;
	[sflag:s13] =	ssyncadd.s32 $0xFFFFF800  }
0x1d8: {  	v8 =	vld [tilespmem:s26+$0x1A281]  }
0x1d9: {  	v9 =	vld [tilespmem:s26+$0x1A280];
	_ =	sdelay $0x3  }
0x1da: {  	v10 =	vadd.s32 s30, v1  }
0x1db: {  	vm1 =	vge.s32 v10, v6;
	vm0 =	vne.s32 v9, v8  }
0x1dc: {  	vm15 =	vlt.s32 v10, v7;
	vm0 =	vmand vm1, vm0  }
0x1dd: {  	v8 =	vld [tilespmem:s26+$0x1B300];
	v9 =	vsub.s32 v9, v5;
	vm0 =	vmand vm15, vm0  }
0x1de: {  	v9 =	vnsel vm0, $0x0, v9;
	_ =	sdelay $0x3  }
0x1df: {  	v8 =	vsel vm0, v8, v4  }
0x1e0: {  	s3 =	simm.s32 $0x10;
	[tilespmem:v9+s20+$0x0] =	vst.idx.msk $0xffff, v8  }
0x1e1: {  	s5 =	simm.s32 $0x80;
	s1 =	smov.u32 s30;
	v8 =	vld [tilespmem:s3+$0x1A281]  }
.LBB2_46:
0x1e2: {  	p1 =	sne.s32 s5, $0x1FC0;
	v9 =	vld [tilespmem:s3+$0x1A280];
	_ =	sdelay $0x2  }
0x1e3: {  	s1 =	sadd.s32 $0x10, s1  }
0x1e4: {  	v10 =	vadd.s32 s1, v1  }
0x1e5: {  	vm1 =	vge.s32 v10, v6;
	vm0 =	vne.s32 v9, v8  }
0x1e6: {  	vm0 =	vmand vm1, vm0;
	vm1 =	vlt.s32 v10, v7  }
0x1e7: {  	v9 =	vsub.s32 v9, v5;
	v8 =	vld [tilespmem:s3+$0x1B300];
	vm0 =	vmand vm1, vm0  }
0x1e8: {  	v9 =	vnsel vm0, $0x0, v9;
	_ =	sdelay $0x1  }
.Ltmp32:
0x1e9: {  	(pc) =	sbr.rel @p1 .LBB2_46-.Ltmp32, $4  }
0x1ea: {  	_ = 	snop  }
0x1eb: {  	v8 =	vsel vm0, v8, v4  }
0x1ec: {  	s3 =	sshra.s32 s5, $0x2;
	[tilespmem:v9+s20+$0x0] =	vst.idx.msk $0xffff, v8  }
0x1ed: {  	s5 =	sadd.s32 $0x40, s5;
	v8 =	vld [tilespmem:s3+$0x1A281]  }
0x1ee: {  	v9 =	vld [tilespmem:s3+$0x1A280];
	_ =	sdelay $0x2  }
0x1ef: {  	s1 =	sadd.s32 $0x10, s1  }
0x1f0: {  	v10 =	vadd.s32 s1, v1  }
0x1f1: {  	vm1 =	vge.s32 v10, v6;
	vm0 =	vne.s32 v9, v8  }
0x1f2: {  	vm15 =	vlt.s32 v10, v7;
	vm0 =	vmand vm1, vm0  }
0x1f3: {  	s31 =	sadd.s32 $0x1, s31;
	v8 =	vld [tilespmem:s3+$0x1B300];
	v9 =	vsub.s32 v9, v5;
	vm0 =	vmand vm15, vm0  }
0x1f4: {  	p1 =	sne.s32 s31, s29;
	v9 =	vnsel vm0, $0x0, v9  }
.Ltmp33:
0x1f5: {  	_ = 	snop;
	(pc) =	sbr.rel @p1 .LBB2_45-.Ltmp33, $4  }
.Ltmp34:
0x1f6: {  	_ = 	snop;
	(pc) =	sbr.rel @!p1 .LBB2_48-.Ltmp34, $4  }
0x1f7: {  	_ = 	snop  }
0x1f8: {  	v8 =	vsel vm0, v8, v4  }
0x1f9: {  	s30 =	sadd.s32 $0x800, s30;
	[tilespmem:v9+s20+$0x0] =	vst.idx.msk $0xffff, v8  }
0x1fa: {  	_ = 	snop  }
.LBB2_17:
.Ltmp35:
0x1fb: {  	(pc) =	sbr.rel .LBB2_21-.Ltmp35, $2  }
0x1fc: {  	_ =	sdelay $0x2  }
0x1fd: {  	s3 =	smov.u32 s25;
	s1 =	simm.s32 $0x1AB00;
	s31 =	simm.s32 $0x1BB00  }
.LBB2_38:
.Ltmp36:
0x1fe: {  	(pc) =	sbr.rel .LBB2_42-.Ltmp36, $2  }
0x1ff: {  	_ =	sdelay $0x2  }
0x200: {  	s26 =	smov.u32 s4;
	s3 =	simm.s32 $0x1B300;
	s1 =	simm.s32 $0x1C300  }
.LBB2_19:
.Ltmp37:
0x201: {  	(pc) =	sbr.rel .LBB2_21-.Ltmp37, $2  }
0x202: {  	_ =	sdelay $0x2  }
0x203: {  	s3 =	smov.u32 s25;
	s1 =	simm.s32 $0x1AB00;
	s31 =	simm.s32 $0x1BB00  }
.LBB2_40:
.Ltmp38:
0x204: {  	(pc) =	sbr.rel .LBB2_42-.Ltmp38, $2  }
0x205: {  	_ =	sdelay $0x2  }
0x206: {  	s26 =	smov.u32 s4;
	s3 =	simm.s32 $0x1B300;
	s1 =	simm.s32 $0x1C300  }
.LBB2_50:
0x207: {  	_ =	sfence.sel $0x180000  }
0x208: {  	[bflag:$0x0] =	sbarrier.arrive $0xFFFF  }
0x209: {  	_ =	strace $0x90000047  }
0x20a: {  	s0 =	stileid.u32;
	[bflag:$0x2] =	sbarrier.arrive $0xFFFF  }
0x20b: {  	p0 =	sne.s32 s0, $0x0;
	s0 =	rddreg [dreg:$0x5]  }
0x20c: {  	s0 =	sadd.s32 @!p0 $0x100000, s0  }
0x20d: {  	[sflag:s0] =	ssyncadd.tile.s32 @!p0 $0x1;
	_ =	shalt  }
.Lfunc_end2:
_tile_overlayer_lowered:
.L_overlay_start_2:
0x20e: {  	(tag) =	ssettag $0x2  }
0x20f: {  	s0 =	rddreg [dreg:$0x0];
	s2 =	stileid.u32  }
0x210: {  	s1 =	rddreg [dreg:$0x1];
	p0 =	sne.s32 s2, $0x0  }
0x211: {  	s3 =	rddreg [dreg:$0x2];
	[bflag:$0x3] =	sbarrier.arrive $0xFFFF;
	s2 =	simm.s32 @!p0 $0x1C03  }
0x212: {  	[timem:s3], [sflag:s2] =	dma.local @!p0 [hbm:s0], s1  }
0x213: {  	s0 =	simm.s32 @!p0 $0x3  }
0x214: {  	_ =	swait.ge @!p0 [sflag:s0], s1  }
0x215: {  	s1 =	ssub.s32 @!p0 $0x0, s1;
	[sflag:s0] =	ssyncset.done @!p0 $0x0  }
0x216: {  	[sflag:s0] =	ssyncadd.s32 @!p0 s1  }
0x217: {  	[bflag:$0x3] =	sbarrier.arrive $0xFFFF  }
0x218: {  	_ =	shalt  }

</sc_bundles>
